<compile_context>
chip_gen: v7x
topology: tpu7x:2x2x1
jax: 0.10.2.dev20260603
libtpu: 0.0.44.dev20260713+nightly
codegen_flags: <defaults>
</compile_context>

<pallas_src>
import jax
import jax.numpy as jnp
from jax import lax
from jax.experimental import pallas as pl
from jax.experimental.pallas import tpu as pltpu
from jax.experimental.pallas import tpu_sc as plsc

_NC = 2
_NS = 16
_L = 16
_K = 80
_ZROWS = 40
_NWB = 10
_NPAD = 10112


def _sum_body(x_hbm, sidx_hbm, didx_hbm, so_hbm, si_hbm, co_hbm, ci_hbm,
              acco, acci, xbuf0, xbuf1, isb0, isb1, idb0, idb1, hist, zbuf,
              sem0, sem1):
    c = lax.axis_index("c")
    s = lax.axis_index("s")
    E = x_hbm.shape[0]
    d = x_hbm.shape[1]
    dh = d // _NC
    e_per = E // _NS
    n_iter = e_per // _K
    n_nodes = hist.shape[0]
    n_wb = n_nodes // _NWB

    z16 = jnp.zeros((_L,), jnp.float32)
    o16 = jnp.ones((_L,), jnp.float32)

    def zrow(r, carry):
        def zcol(j, carry2):
            zbuf[r, pl.ds(j * _L, _L)] = z16
            return carry2
        return lax.fori_loop(0, dh // _L, zcol, carry)
    lax.fori_loop(0, _ZROWS, zrow, 0)

    def hrow(r, carry):
        hist[pl.ds(r * _L, _L)] = z16
        return carry
    lax.fori_loop(0, n_nodes // _L, hrow, 0)

    base_n = s * n_wb
    @pl.when(s < _NWB)
    def _():
        def zacc(i, carry):
            pltpu.sync_copy(zbuf, acco.at[pl.ds(base_n + i * _ZROWS, _ZROWS)])
            pltpu.sync_copy(zbuf, acci.at[pl.ds(base_n + i * _ZROWS, _ZROWS)])
            return carry
        lax.fori_loop(0, n_wb // _ZROWS, zacc, 0)

    plsc.subcore_barrier()

    xb = s * e_per

    def xcp(i, buf, sem):
        return pltpu.make_async_copy(
            x_hbm.at[pl.ds(xb + i * _K, _K), pl.ds(c * dh, dh)], buf, sem)

    def scp(i, buf, sem):
        return pltpu.make_async_copy(sidx_hbm.at[pl.ds(xb + i * _K, _K)],
                                     buf, sem)

    def dcp(i, buf, sem):
        return pltpu.make_async_copy(didx_hbm.at[pl.ds(xb + i * _K, _K)],
                                     buf, sem)

    def count(ib):
        def q(qi, carry):
            iv = ib[pl.ds(qi * _L, _L)]
            plsc.addupdate_scatter(hist, [iv], o16)
            return carry
        lax.fori_loop(0, _K // _L, q, 0)

    xcp(0, xbuf0, sem0).start()
    scp(0, isb0, sem0).start()
    dcp(0, idb0, sem0).start()

    def step(j, carry):
        i0 = 2 * j
        i1 = i0 + 1
        xcp(i1, xbuf1, sem1).start()
        scp(i1, isb1, sem1).start()
        dcp(i1, idb1, sem1).start()
        xcp(i0, xbuf0, sem0).wait()
        scp(i0, isb0, sem0).wait()
        dcp(i0, idb0, sem0).wait()
        pltpu.sync_copy(xbuf0, acco.at[isb0], add=True)
        pltpu.sync_copy(xbuf0, acci.at[idb0], add=True)

        @pl.when(c == 0)
        def _():
            count(isb0)

        @pl.when(c == 1)
        def _():
            count(idb0)

        @pl.when(j < n_iter // 2 - 1)
        def _():
            xcp(i0 + 2, xbuf0, sem0).start()
            scp(i0 + 2, isb0, sem0).start()
            dcp(i0 + 2, idb0, sem0).start()

        xcp(i1, xbuf1, sem1).wait()
        scp(i1, isb1, sem1).wait()
        dcp(i1, idb1, sem1).wait()
        pltpu.sync_copy(xbuf1, acco.at[isb1], add=True)
        pltpu.sync_copy(xbuf1, acci.at[idb1], add=True)

        @pl.when(c == 0)
        def _():
            count(isb1)

        @pl.when(c == 1)
        def _():
            count(idb1)
        return carry
    lax.fori_loop(0, n_iter // 2, step, 0)

    plsc.subcore_barrier()

    @pl.when(s < _NWB)
    def _():
        pltpu.sync_copy(acco.at[pl.ds(base_n, n_wb)],
                        so_hbm.at[pl.ds(base_n, n_wb), pl.ds(c * dh, dh)])
        pltpu.sync_copy(acci.at[pl.ds(base_n, n_wb)],
                        si_hbm.at[pl.ds(base_n, n_wb), pl.ds(c * dh, dh)])

    @pl.when(c == 0)
    def _():
        pltpu.sync_copy(hist, co_hbm.at[s, pl.ds(0, n_nodes)])

    @pl.when(c == 1)
    def _():
        pltpu.sync_copy(hist, ci_hbm.at[s, pl.ds(0, n_nodes)])


def _sc_segment_sums(x, sidx, didx, num_nodes):
    E, d = x.shape
    dh = d // _NC
    mesh = plsc.VectorSubcoreMesh(core_axis_name="c", subcore_axis_name="s",
                                  num_cores=_NC, num_subcores=_NS)
    f = pl.kernel(
        _sum_body,
        out_type=[
            jax.ShapeDtypeStruct((num_nodes, d), jnp.float32),
            jax.ShapeDtypeStruct((num_nodes, d), jnp.float32),
            jax.ShapeDtypeStruct((_NS, _NPAD), jnp.float32),
            jax.ShapeDtypeStruct((_NS, _NPAD), jnp.float32),
        ],
        mesh=mesh,
        scratch_types=[
            pltpu.VMEM_SHARED((num_nodes, dh), jnp.float32),
            pltpu.VMEM_SHARED((num_nodes, dh), jnp.float32),
            pltpu.VMEM((_K, dh), jnp.float32),
            pltpu.VMEM((_K, dh), jnp.float32),
            pltpu.VMEM((_K,), jnp.int32),
            pltpu.VMEM((_K,), jnp.int32),
            pltpu.VMEM((_K,), jnp.int32),
            pltpu.VMEM((_K,), jnp.int32),
            pltpu.VMEM((num_nodes,), jnp.float32),
            pltpu.VMEM((_ZROWS, dh), jnp.float32),
            pltpu.SemaphoreType.DMA,
            pltpu.SemaphoreType.DMA,
        ],
        compiler_params=pltpu.CompilerParams(use_tc_tiling_on_sc=False,
                                             needs_layout_passes=False),
    )
    return f(x, sidx, didx)


_PR = 250
_PC = 1280
_PBC = 128


def _prep_body(slg_ref, dlg_ref, ptr_ref, ogs_ref, sidx_ref, didx_ref):
    i = pl.program_id(0)
    B = ogs_ref.shape[0]
    r = lax.broadcasted_iota(jnp.int32, (_PR, _PBC), 0)
    col = lax.broadcasted_iota(jnp.int32, (_PR, _PBC), 1)
    e = r * _PC + i * _PBC + col
    pad = jnp.zeros((_PR, _PBC), jnp.int32)
    for h in range(B - 1):
        pad = pad + jnp.where(e >= ptr_ref[h + 1], ogs_ref[h], 0)
    sidx_ref[...] = slg_ref[...] + pad
    didx_ref[...] = dlg_ref[...] + pad


def _prep(s_lg, d_lg, ptr, ogs):
    grid = _PC // _PBC
    out = pl.pallas_call(
        _prep_body,
        grid=(grid,),
        in_specs=[
            pl.BlockSpec((_PR, _PBC), lambda i: (0, i)),
            pl.BlockSpec((_PR, _PBC), lambda i: (0, i)),
            pl.BlockSpec(memory_space=pltpu.SMEM),
            pl.BlockSpec(memory_space=pltpu.SMEM),
        ],
        out_specs=[
            pl.BlockSpec((_PR, _PBC), lambda i: (0, i)),
            pl.BlockSpec((_PR, _PBC), lambda i: (0, i)),
        ],
        out_shape=[
            jax.ShapeDtypeStruct((_PR, _PC), jnp.int32),
            jax.ShapeDtypeStruct((_PR, _PC), jnp.int32),
        ],
    )(s_lg.reshape(_PR, _PC), d_lg.reshape(_PR, _PC), ptr, ogs)
    return out[0].reshape(-1), out[1].reshape(-1)


def _combine_body(so_ref, si_ref, hco_ref, hci_ref, out_ref):
    hdim = 42
    n = so_ref.shape[0]
    cnto = jnp.maximum(jnp.sum(hco_ref[:, :n], axis=0), 1.0)[:, None]
    cnti = jnp.maximum(jnp.sum(hci_ref[:, :n], axis=0), 1.0)[:, None]
    mo = so_ref[...] / cnto
    mi = si_ref[...] / cnti
    col = lax.broadcasted_iota(jnp.int32, mo.shape, 1)
    out_ref[...] = jnp.where(col < hdim, (mi - mo) * 0.5,
                             jnp.where(col < 2 * hdim, mi, mo))


def _combine(so, si, hcnt_out, hcnt_in):
    n, d = so.shape
    return pl.pallas_call(
        _combine_body,
        out_shape=jax.ShapeDtypeStruct((n, d), jnp.float32),
    )(so, si, hcnt_out, hcnt_in)


def kernel(x, lg_node_idx, org_graph_size, ptr):
    E, d = x.shape
    B = org_graph_size.shape[0]
    num_nodes = B * 625
    ogs = org_graph_size.astype(jnp.int32)
    sidx, didx = _prep(lg_node_idx[:, 0], lg_node_idx[:, 1],
                       ptr.astype(jnp.int32), ogs)

    so, si, hco, hci = _sc_segment_sums(x, sidx, didx, num_nodes)
    return _combine(so, si, hco, hci)

# --- scband reference (transcript-rebuilt; emitter-appended) ---
"""Pipeline reference for scband-lg2graph-node-21663815041154 (READ-ONLY COPY).

The authoritative reference and input builder live on the scoring server;
editing this copy changes nothing except your own understanding.
"""

import jax, jax.numpy as jnp
import numpy as np


def _segment_mean(data, ids, num_segments):
    # torch_scatter.scatter_mean semantics: empty segments -> 0
    s = jax.ops.segment_sum(data, ids, num_segments=num_segments)
    c = jax.ops.segment_sum(jnp.ones((data.shape[0], 1), data.dtype), ids, num_segments=num_segments)
    return s / jnp.clip(c, 1.0, None)


def setup_inputs(seed: int = 0) -> dict:
    key = jax.random.key(seed)
    k1, k2 = jax.random.split(key)
    B = 16
    nodes_per = 625          # 16 * 625 = 10000 total graph nodes
    edges_per = 20000        # 16 * 20000 = 320000 total line-graph nodes (edges)
    E = B * edges_per
    d = 128
    x = jax.random.normal(k1, (E, d), dtype=jnp.float32)
    # per-graph local (src, dst) node indices of each edge, values in [0, nodes_per)
    lg_node_idx = jax.random.randint(k2, (E, 2), 0, nodes_per, dtype=jnp.int32)
    org_graph_size = jnp.full((B,), nodes_per, dtype=jnp.int32)
    ptr = (jnp.arange(B + 1, dtype=jnp.int32) * edges_per).astype(jnp.int32)
    return {"x": x, "lg_node_idx": lg_node_idx, "org_graph_size": org_graph_size, "ptr": ptr}


def reference(x, lg_node_idx, org_graph_size, ptr):
    dim_inner = 128
    hdim = dim_inner // 3  # cfg.gnn.dim_inner // 3 -> 42
    num_nodes = org_graph_size.shape[0] * 625  # 10000
    # mask: cumulative node offset per graph (prepend 0, drop last)
    mask = jnp.cumsum(jnp.concatenate([jnp.zeros((1,), org_graph_size.dtype), org_graph_size]))[:-1]
    # padding: repeat each graph's node offset for each of its line-graph nodes
    counts = ptr[1:] - ptr[:-1]
    padding = jnp.repeat(mask, counts, total_repeat_length=x.shape[0])
    # padded_lg_node_idx = lg_node_idx + padding.repeat(2,1).T
    padded = lg_node_idx + padding[:, None]
    outgoing = _segment_mean(x, padded[:, 0], num_nodes)
    incoming = _segment_mean(x, padded[:, 1], num_nodes)
    # cfg.gnn.lgvariant == 22 branch
    new_x = jnp.concatenate([
        (incoming[:, :hdim] - outgoing[:, :hdim]) / 2.0,
        incoming[:, hdim:hdim * 2],
        outgoing[:, hdim * 2:],
    ], axis=1)
    return new_x

if __name__ == "__main__":
    import jax
    _d = setup_inputs()
    print(jax.jit(kernel)(*tuple(_d.values())))

</pallas_src>

<mosaic_0001>
#map = affine_map<(d0, d1) -> (0, 0)>
#map1 = affine_map<(d0, d1) -> (0)>
module attributes {stable_mosaic.version = 14 : i64} {
  func.func @_sum_body(%arg0: i32, %arg1: i32, %arg2: memref<320000x128xf32, #tpu.memory_space<hbm>>, %arg3: memref<320000xi32, #tpu.memory_space<hbm>>, %arg4: memref<320000xi32, #tpu.memory_space<hbm>>, %arg5: memref<10000x128xf32, #tpu.memory_space<hbm>>, %arg6: memref<10000x128xf32, #tpu.memory_space<hbm>>, %arg7: memref<16x10112xf32, #tpu.memory_space<hbm>>, %arg8: memref<16x10112xf32, #tpu.memory_space<hbm>>, %arg9: memref<10000x64xf32, #tpu.memory_space<vmem_shared>>, %arg10: memref<10000x64xf32, #tpu.memory_space<vmem_shared>>, %arg11: memref<80x64xf32, #tpu.memory_space<vmem>>, %arg12: memref<80x64xf32, #tpu.memory_space<vmem>>, %arg13: memref<80xi32, #tpu.memory_space<vmem>>, %arg14: memref<80xi32, #tpu.memory_space<vmem>>, %arg15: memref<80xi32, #tpu.memory_space<vmem>>, %arg16: memref<80xi32, #tpu.memory_space<vmem>>, %arg17: memref<10000xf32, #tpu.memory_space<vmem>>, %arg18: memref<40x64xf32, #tpu.memory_space<vmem>>, %arg19: memref<!tpu.dma_semaphore, #tpu.memory_space<semaphore_mem>>, %arg20: memref<!tpu.dma_semaphore, #tpu.memory_space<semaphore_mem>>) attributes {dimension_semantics = [#tpu.dimension_semantics<core_parallel>, #tpu.dimension_semantics<subcore_parallel>], iteration_bounds = array<i64: 2, 16>, scalar_prefetch = 0 : i64, scratch_operands = 12 : i64, tpu.core_type = #tpu.core_type<sc_vector_subcore>, window_params = [{transform_indices = #map}, {transform_indices = #map1}, {transform_indices = #map1}, {transform_indices = #map}, {transform_indices = #map}, {transform_indices = #map}, {transform_indices = #map}]} {
    %broadcast_in_dim3A = arith.constant 0.000000e+00 : f32
    %broadcast_in_dim3A_0 = vector.broadcast %broadcast_in_dim3A : f32 to vector<16xf32>
    %broadcast_in_dim3A_1 = arith.constant 1.000000e+00 : f32
    %broadcast_in_dim3A_2 = vector.broadcast %broadcast_in_dim3A_1 : f32 to vector<16xf32>
    %scan3A = arith.constant 0 : i32
    %scan3A_3 = arith.constant 0 : i32
    %scan3A_4 = arith.constant 40 : i32
    %scan3A_5 = arith.addi %scan3A_3, %scan3A_4 : i32
    %scan3A_6 = arith.constant 1 : i32
    scf.for %scan3A_52 = %scan3A_3 to %scan3A_5 step %scan3A_6  : i32 {
      %scan3A_53 = arith.constant 0 : i32
      %scan3A_54 = arith.constant 4 : i32
      %scan3A_55 = arith.addi %scan3A_53, %scan3A_54 : i32
      %scan3A_56 = arith.constant 1 : i32
      scf.for %scan3A_58 = %scan3A_53 to %scan3A_55 step %scan3A_56  : i32 {
        %mul3A_59 = arith.constant 16 : i32
        %mul3A_60 = arith.muli %scan3A_58, %mul3A_59 : i32
        %swap3A = arith.index_cast %scan3A_52 : i32 to index
        %swap3A_61 = arith.index_cast %mul3A_60 : i32 to index
        %swap3A_62 = tpu.vector_load %arg18[%swap3A, %swap3A_61] {strides = array<i32>} : memref<40x64xf32, #tpu.memory_space<vmem>>, vector<16xf32>,
        tpu.vector_store %arg18[%swap3A, %swap3A_61], %broadcast_in_dim3A_0 {strides = array<i32>} : memref<40x64xf32, #tpu.memory_space<vmem>>, vector<16xf32>,
      }
      %scan3A_57 = arith.constant 4 : i32
    }
    %scan3A_7 = arith.constant 40 : i32
    %scan3A_8 = arith.constant 0 : i32
    %scan3A_9 = arith.constant 0 : i32
    %scan3A_10 = arith.constant 625 : i32
    %scan3A_11 = arith.addi %scan3A_9, %scan3A_10 : i32
    %scan3A_12 = arith.constant 1 : i32
    scf.for %scan3A_52 = %scan3A_9 to %scan3A_11 step %scan3A_12  : i32 {
      %mul3A_53 = arith.constant 16 : i32
      %mul3A_54 = arith.muli %scan3A_52, %mul3A_53 : i32
      %swap3A = arith.index_cast %mul3A_54 : i32 to index
      %swap3A_55 = tpu.vector_load %arg17[%swap3A] {strides = array<i32>} : memref<10000xf32, #tpu.memory_space<vmem>>, vector<16xf32>,
      tpu.vector_store %arg17[%swap3A], %broadcast_in_dim3A_0 {strides = array<i32>} : memref<10000xf32, #tpu.memory_space<vmem>>, vector<16xf32>,
    }
    %scan3A_13 = arith.constant 625 : i32
    %mul3A = arith.constant 1000 : i32
    %mul3A_14 = arith.muli %arg1, %mul3A : i32
    %lt3A = arith.constant 10 : i32
    %lt3A_15 = arith.cmpi slt, %arg1, %lt3A : i32
    %convert_element_type3A = arith.extui %lt3A_15 : i1 to i32
    %cond3A = arith.constant 0 : i32
    %cond3A_16 = arith.cmpi ne, %convert_element_type3A, %cond3A : i32
    scf.if %cond3A_16 {
      %scan3A_52 = arith.constant 0 : i32
      %scan3A_53 = arith.constant 0 : i32
      %scan3A_54 = arith.constant 25 : i32
      %scan3A_55 = arith.addi %scan3A_53, %scan3A_54 : i32
      %scan3A_56 = arith.constant 1 : i32
      scf.for %scan3A_58 = %scan3A_53 to %scan3A_55 step %scan3A_56  : i32 {
        %mul3A_59 = arith.constant 40 : i32
        %mul3A_60 = arith.muli %scan3A_58, %mul3A_59 : i32
        %add3A_61 = arith.addi %mul3A_14, %mul3A_60 : i32
        "tpu.region"() ({
          %run_scoped3A = tpu.sem_alloc : memref<!tpu.dma_semaphore, #tpu.memory_space<semaphore_mem>>
          %dma_start3A_65 = arith.constant 0 : i32
          %dma_start3A_66 = tpu.memref_slice %arg9[%add3A_61, %dma_start3A_65] : memref<10000x64xf32, #tpu.memory_space<vmem_shared>> -> memref<40x64xf32, #tpu.memory_space<vmem_shared>>
          %dma_start3A_67 = arith.constant 0 : i32
          %dma_start3A_68 = tpu.memref_slice %arg9[%add3A_61, %dma_start3A_67] : memref<10000x64xf32, #tpu.memory_space<vmem_shared>> -> memref<40x64xf32, #tpu.memory_space<vmem_shared>>
          tpu.enqueue_dma source(%arg18 : memref<40x64xf32, #tpu.memory_space<vmem>>) target(%dma_start3A_68 : memref<40x64xf32, #tpu.memory_space<vmem_shared>>) target_semaphore(%run_scoped3A : memref<!tpu.dma_semaphore, #tpu.memory_space<semaphore_mem>>)
          %dma_wait3A = arith.constant 0 : i32
          %dma_wait3A_69 = tpu.memref_slice %arg9[%add3A_61, %dma_wait3A] : memref<10000x64xf32, #tpu.memory_space<vmem_shared>> -> memref<40x64xf32, #tpu.memory_space<vmem_shared>>
          %dma_wait3A_70 = arith.constant 0 : i32
          %dma_wait3A_71 = tpu.memref_slice %arg9[%add3A_61, %dma_wait3A_70] : memref<10000x64xf32, #tpu.memory_space<vmem_shared>> -> memref<40x64xf32, #tpu.memory_space<vmem_shared>>
          tpu.wait_dma2 semaphore(%run_scoped3A : memref<!tpu.dma_semaphore, #tpu.memory_space<semaphore_mem>>) src(%arg18 : memref<40x64xf32, #tpu.memory_space<vmem>>) dst(%dma_wait3A_71 : memref<40x64xf32, #tpu.memory_space<vmem_shared>>)
          tpu.yield
        }) : () -> ()
        %mul3A_62 = arith.constant 40 : i32
        %mul3A_63 = arith.muli %scan3A_58, %mul3A_62 : i32
        %add3A_64 = arith.addi %mul3A_14, %mul3A_63 : i32
        "tpu.region"() ({
          %run_scoped3A = tpu.sem_alloc : memref<!tpu.dma_semaphore, #tpu.memory_space<semaphore_mem>>
          %dma_start3A_65 = arith.constant 0 : i32
          %dma_start3A_66 = tpu.memref_slice %arg10[%add3A_64, %dma_start3A_65] : memref<10000x64xf32, #tpu.memory_space<vmem_shared>> -> memref<40x64xf32, #tpu.memory_space<vmem_shared>>
          %dma_start3A_67 = arith.constant 0 : i32
          %dma_start3A_68 = tpu.memref_slice %arg10[%add3A_64, %dma_start3A_67] : memref<10000x64xf32, #tpu.memory_space<vmem_shared>> -> memref<40x64xf32, #tpu.memory_space<vmem_shared>>
          tpu.enqueue_dma source(%arg18 : memref<40x64xf32, #tpu.memory_space<vmem>>) target(%dma_start3A_68 : memref<40x64xf32, #tpu.memory_space<vmem_shared>>) target_semaphore(%run_scoped3A : memref<!tpu.dma_semaphore, #tpu.memory_space<semaphore_mem>>)
          %dma_wait3A = arith.constant 0 : i32
          %dma_wait3A_69 = tpu.memref_slice %arg10[%add3A_64, %dma_wait3A] : memref<10000x64xf32, #tpu.memory_space<vmem_shared>> -> memref<40x64xf32, #tpu.memory_space<vmem_shared>>
          %dma_wait3A_70 = arith.constant 0 : i32
          %dma_wait3A_71 = tpu.memref_slice %arg10[%add3A_64, %dma_wait3A_70] : memref<10000x64xf32, #tpu.memory_space<vmem_shared>> -> memref<40x64xf32, #tpu.memory_space<vmem_shared>>
          tpu.wait_dma2 semaphore(%run_scoped3A : memref<!tpu.dma_semaphore, #tpu.memory_space<semaphore_mem>>) src(%arg18 : memref<40x64xf32, #tpu.memory_space<vmem>>) dst(%dma_wait3A_71 : memref<40x64xf32, #tpu.memory_space<vmem_shared>>)
          tpu.yield
        }) : () -> ()
      }
      %scan3A_57 = arith.constant 25 : i32
    } else {
    }
    %barrier3A = arith.constant 0 : index
    tpu.barrier barrier_id(%barrier3A)
    %mul3A_17 = arith.constant 20000 : i32
    %mul3A_18 = arith.muli %arg1, %mul3A_17 : i32
    %add3A = arith.constant 0 : i32
    %add3A_19 = arith.addi %mul3A_18, %add3A : i32
    %mul3A_20 = arith.constant 64 : i32
    %mul3A_21 = arith.muli %arg0, %mul3A_20 : i32
    %dma_start3A = tpu.memref_slice %arg2[%add3A_19, %mul3A_21] : memref<320000x128xf32, #tpu.memory_space<hbm>> -> memref<80x64xf32, #tpu.memory_space<hbm>>
    %dma_start3A_22 = tpu.memref_slice %arg2[%add3A_19, %mul3A_21] : memref<320000x128xf32, #tpu.memory_space<hbm>> -> memref<80x64xf32, #tpu.memory_space<hbm>>
    tpu.enqueue_dma source(%dma_start3A_22 : memref<80x64xf32, #tpu.memory_space<hbm>>) target(%arg11 : memref<80x64xf32, #tpu.memory_space<vmem>>) target_semaphore(%arg19 : memref<!tpu.dma_semaphore, #tpu.memory_space<semaphore_mem>>)
    %add3A_23 = arith.constant 0 : i32
    %add3A_24 = arith.addi %mul3A_18, %add3A_23 : i32
    %dma_start3A_25 = tpu.memref_slice %arg3[%add3A_24] : memref<320000xi32, #tpu.memory_space<hbm>> -> memref<80xi32, #tpu.memory_space<hbm>>
    %dma_start3A_26 = tpu.memref_slice %arg3[%add3A_24] : memref<320000xi32, #tpu.memory_space<hbm>> -> memref<80xi32, #tpu.memory_space<hbm>>
    tpu.enqueue_dma source(%dma_start3A_26 : memref<80xi32, #tpu.memory_space<hbm>>) target(%arg13 : memref<80xi32, #tpu.memory_space<vmem>>) target_semaphore(%arg19 : memref<!tpu.dma_semaphore, #tpu.memory_space<semaphore_mem>>)
    %add3A_27 = arith.constant 0 : i32
    %add3A_28 = arith.addi %mul3A_18, %add3A_27 : i32
    %dma_start3A_29 = tpu.memref_slice %arg4[%add3A_28] : memref<320000xi32, #tpu.memory_space<hbm>> -> memref<80xi32, #tpu.memory_space<hbm>>
    %dma_start3A_30 = tpu.memref_slice %arg4[%add3A_28] : memref<320000xi32, #tpu.memory_space<hbm>> -> memref<80xi32, #tpu.memory_space<hbm>>
    tpu.enqueue_dma source(%dma_start3A_30 : memref<80xi32, #tpu.memory_space<hbm>>) target(%arg15 : memref<80xi32, #tpu.memory_space<vmem>>) target_semaphore(%arg19 : memref<!tpu.dma_semaphore, #tpu.memory_space<semaphore_mem>>)
    %scan3A_31 = arith.constant 0 : i32
    %scan3A_32 = arith.constant 0 : i32
    %scan3A_33 = arith.constant 125 : i32
    %scan3A_34 = arith.addi %scan3A_32, %scan3A_33 : i32
    %scan3A_35 = arith.constant 1 : i32
    scf.for %scan3A_52 = %scan3A_32 to %scan3A_34 step %scan3A_35  : i32 {
      %mul3A_53 = arith.constant 2 : i32
      %mul3A_54 = arith.muli %mul3A_53, %scan3A_52 : i32
      %add3A_55 = arith.constant 1 : i32
      %add3A_56 = arith.addi %mul3A_54, %add3A_55 : i32
      %mul3A_57 = arith.constant 80 : i32
      %mul3A_58 = arith.muli %add3A_56, %mul3A_57 : i32
      %add3A_59 = arith.addi %mul3A_18, %mul3A_58 : i32
      %mul3A_60 = arith.constant 64 : i32
      %mul3A_61 = arith.muli %arg0, %mul3A_60 : i32
      %dma_start3A_62 = tpu.memref_slice %arg2[%add3A_59, %mul3A_61] : memref<320000x128xf32, #tpu.memory_space<hbm>> -> memref<80x64xf32, #tpu.memory_space<hbm>>
      %dma_start3A_63 = tpu.memref_slice %arg2[%add3A_59, %mul3A_61] : memref<320000x128xf32, #tpu.memory_space<hbm>> -> memref<80x64xf32, #tpu.memory_space<hbm>>
      tpu.enqueue_dma source(%dma_start3A_63 : memref<80x64xf32, #tpu.memory_space<hbm>>) target(%arg12 : memref<80x64xf32, #tpu.memory_space<vmem>>) target_semaphore(%arg20 : memref<!tpu.dma_semaphore, #tpu.memory_space<semaphore_mem>>)
      %mul3A_64 = arith.constant 80 : i32
      %mul3A_65 = arith.muli %add3A_56, %mul3A_64 : i32
      %add3A_66 = arith.addi %mul3A_18, %mul3A_65 : i32
      %dma_start3A_67 = tpu.memref_slice %arg3[%add3A_66] : memref<320000xi32, #tpu.memory_space<hbm>> -> memref<80xi32, #tpu.memory_space<hbm>>
      %dma_start3A_68 = tpu.memref_slice %arg3[%add3A_66] : memref<320000xi32, #tpu.memory_space<hbm>> -> memref<80xi32, #tpu.memory_space<hbm>>
      tpu.enqueue_dma source(%dma_start3A_68 : memref<80xi32, #tpu.memory_space<hbm>>) target(%arg14 : memref<80xi32, #tpu.memory_space<vmem>>) target_semaphore(%arg20 : memref<!tpu.dma_semaphore, #tpu.memory_space<semaphore_mem>>)
      %mul3A_69 = arith.constant 80 : i32
      %mul3A_70 = arith.muli %add3A_56, %mul3A_69 : i32
      %add3A_71 = arith.addi %mul3A_18, %mul3A_70 : i32
      %dma_start3A_72 = tpu.memref_slice %arg4[%add3A_71] : memref<320000xi32, #tpu.memory_space<hbm>> -> memref<80xi32, #tpu.memory_space<hbm>>
      %dma_start3A_73 = tpu.memref_slice %arg4[%add3A_71] : memref<320000xi32, #tpu.memory_space<hbm>> -> memref<80xi32, #tpu.memory_space<hbm>>
      tpu.enqueue_dma source(%dma_start3A_73 : memref<80xi32, #tpu.memory_space<hbm>>) target(%arg16 : memref<80xi32, #tpu.memory_space<vmem>>) target_semaphore(%arg20 : memref<!tpu.dma_semaphore, #tpu.memory_space<semaphore_mem>>)
      %mul3A_74 = arith.constant 80 : i32
      %mul3A_75 = arith.muli %mul3A_54, %mul3A_74 : i32
      %add3A_76 = arith.addi %mul3A_18, %mul3A_75 : i32
      %mul3A_77 = arith.constant 64 : i32
      %mul3A_78 = arith.muli %arg0, %mul3A_77 : i32
      %dma_wait3A = tpu.memref_slice %arg2[%add3A_76, %mul3A_78] : memref<320000x128xf32, #tpu.memory_space<hbm>> -> memref<80x64xf32, #tpu.memory_space<hbm>>
      %dma_wait3A_79 = tpu.memref_slice %arg2[%add3A_76, %mul3A_78] : memref<320000x128xf32, #tpu.memory_space<hbm>> -> memref<80x64xf32, #tpu.memory_space<hbm>>
      tpu.wait_dma2 semaphore(%arg19 : memref<!tpu.dma_semaphore, #tpu.memory_space<semaphore_mem>>) src(%dma_wait3A_79 : memref<80x64xf32, #tpu.memory_space<hbm>>) dst(%arg11 : memref<80x64xf32, #tpu.memory_space<vmem>>)
      %mul3A_80 = arith.constant 80 : i32
      %mul3A_81 = arith.muli %mul3A_54, %mul3A_80 : i32
      %add3A_82 = arith.addi %mul3A_18, %mul3A_81 : i32
      %dma_wait3A_83 = tpu.memref_slice %arg3[%add3A_82] : memref<320000xi32, #tpu.memory_space<hbm>> -> memref<80xi32, #tpu.memory_space<hbm>>
      %dma_wait3A_84 = tpu.memref_slice %arg3[%add3A_82] : memref<320000xi32, #tpu.memory_space<hbm>> -> memref<80xi32, #tpu.memory_space<hbm>>
      tpu.wait_dma2 semaphore(%arg19 : memref<!tpu.dma_semaphore, #tpu.memory_space<semaphore_mem>>) src(%dma_wait3A_84 : memref<80xi32, #tpu.memory_space<hbm>>) dst(%arg13 : memref<80xi32, #tpu.memory_space<vmem>>)
      %mul3A_85 = arith.constant 80 : i32
      %mul3A_86 = arith.muli %mul3A_54, %mul3A_85 : i32
      %add3A_87 = arith.addi %mul3A_18, %mul3A_86 : i32
      %dma_wait3A_88 = tpu.memref_slice %arg4[%add3A_87] : memref<320000xi32, #tpu.memory_space<hbm>> -> memref<80xi32, #tpu.memory_space<hbm>>
      %dma_wait3A_89 = tpu.memref_slice %arg4[%add3A_87] : memref<320000xi32, #tpu.memory_space<hbm>> -> memref<80xi32, #tpu.memory_space<hbm>>
      tpu.wait_dma2 semaphore(%arg19 : memref<!tpu.dma_semaphore, #tpu.memory_space<semaphore_mem>>) src(%dma_wait3A_89 : memref<80xi32, #tpu.memory_space<hbm>>) dst(%arg15 : memref<80xi32, #tpu.memory_space<vmem>>)
      "tpu.region"() ({
        %run_scoped3A = tpu.sem_alloc : memref<!tpu.dma_semaphore, #tpu.memory_space<semaphore_mem>>
        %dma_start3A_132 = arith.constant 0 : i32
        %dma_start3A_133 = arith.constant 0 : i32
        %dma_start3A_134 = tpu.memref_slice %arg9[%dma_start3A_132, %dma_start3A_133] : memref<10000x64xf32, #tpu.memory_space<vmem_shared>> -> memref<10000x64xf32, #tpu.memory_space<vmem_shared>>
        tpu.enqueue_indirect_dma source(%arg11 : memref<80x64xf32, #tpu.memory_space<vmem>>) target(%dma_start3A_134 : memref<10000x64xf32, #tpu.memory_space<vmem_shared>>) offsets(%arg13 : memref<80xi32, #tpu.memory_space<vmem>>) semaphore(%run_scoped3A : memref<!tpu.dma_semaphore, #tpu.memory_space<semaphore_mem>>) {add = true}
        %dma_wait3A_135 = arith.constant 0 : i32
        %dma_wait3A_136 = arith.constant 0 : i32
        %dma_wait3A_137 = tpu.memref_slice %arg9[%dma_wait3A_135, %dma_wait3A_136] : memref<10000x64xf32, #tpu.memory_space<vmem_shared>> -> memref<10000x64xf32, #tpu.memory_space<vmem_shared>>
        tpu.wait_indirect_dma semaphore(%run_scoped3A : memref<!tpu.dma_semaphore, #tpu.memory_space<semaphore_mem>>) src(%arg11 : memref<80x64xf32, #tpu.memory_space<vmem>>) dst(%dma_wait3A_137 : memref<10000x64xf32, #tpu.memory_space<vmem_shared>>)
        tpu.yield
      }) : () -> ()
      "tpu.region"() ({
        %run_scoped3A = tpu.sem_alloc : memref<!tpu.dma_semaphore, #tpu.memory_space<semaphore_mem>>
        %dma_start3A_132 = arith.constant 0 : i32
        %dma_start3A_133 = arith.constant 0 : i32
        %dma_start3A_134 = tpu.memref_slice %arg10[%dma_start3A_132, %dma_start3A_133] : memref<10000x64xf32, #tpu.memory_space<vmem_shared>> -> memref<10000x64xf32, #tpu.memory_space<vmem_shared>>
        tpu.enqueue_indirect_dma source(%arg11 : memref<80x64xf32, #tpu.memory_space<vmem>>) target(%dma_start3A_134 : memref<10000x64xf32, #tpu.memory_space<vmem_shared>>) offsets(%arg15 : memref<80xi32, #tpu.memory_space<vmem>>) semaphore(%run_scoped3A : memref<!tpu.dma_semaphore, #tpu.memory_space<semaphore_mem>>) {add = true}
        %dma_wait3A_135 = arith.constant 0 : i32
        %dma_wait3A_136 = arith.constant 0 : i32
        %dma_wait3A_137 = tpu.memref_slice %arg10[%dma_wait3A_135, %dma_wait3A_136] : memref<10000x64xf32, #tpu.memory_space<vmem_shared>> -> memref<10000x64xf32, #tpu.memory_space<vmem_shared>>
        tpu.wait_indirect_dma semaphore(%run_scoped3A : memref<!tpu.dma_semaphore, #tpu.memory_space<semaphore_mem>>) src(%arg11 : memref<80x64xf32, #tpu.memory_space<vmem>>) dst(%dma_wait3A_137 : memref<10000x64xf32, #tpu.memory_space<vmem_shared>>)
        tpu.yield
      }) : () -> ()
      %eq3A_90 = arith.constant 0 : i32
      %eq3A_91 = arith.cmpi eq, %arg0, %eq3A_90 : i32
      %convert_element_type3A_92 = arith.extui %eq3A_91 : i1 to i32
      %cond3A_93 = arith.constant 0 : i32
      %cond3A_94 = arith.cmpi ne, %convert_element_type3A_92, %cond3A_93 : i32
      scf.if %cond3A_94 {
        %scan3A_132 = arith.constant 0 : i32
        %scan3A_133 = arith.constant 0 : i32
        %scan3A_134 = arith.constant 5 : i32
        %scan3A_135 = arith.addi %scan3A_133, %scan3A_134 : i32
        %scan3A_136 = arith.constant 1 : i32
        scf.for %scan3A_138 = %scan3A_133 to %scan3A_135 step %scan3A_136  : i32 {
          %mul3A_139 = arith.constant 16 : i32
          %mul3A_140 = arith.muli %scan3A_138, %mul3A_139 : i32
          %get3A = arith.index_cast %mul3A_140 : i32 to index
          %get3A_141 = tpu.vector_load %arg13[%get3A] {strides = array<i32>} : memref<80xi32, #tpu.memory_space<vmem>>, vector<16xi32>,
          tpu.vector_store_idx %arg17[%get3A_141], %broadcast_in_dim3A_2 {add = true} : memref<10000xf32, #tpu.memory_space<vmem>>[vector<16xi32>], vector<16xf32>,
        }
        %scan3A_137 = arith.constant 5 : i32
      } else {
      }
      %eq3A_95 = arith.constant 1 : i32
      %eq3A_96 = arith.cmpi eq, %arg0, %eq3A_95 : i32
      %convert_element_type3A_97 = arith.extui %eq3A_96 : i1 to i32
      %cond3A_98 = arith.constant 0 : i32
      %cond3A_99 = arith.cmpi ne, %convert_element_type3A_97, %cond3A_98 : i32
      scf.if %cond3A_99 {
        %scan3A_132 = arith.constant 0 : i32
        %scan3A_133 = arith.constant 0 : i32
        %scan3A_134 = arith.constant 5 : i32
        %scan3A_135 = arith.addi %scan3A_133, %scan3A_134 : i32
        %scan3A_136 = arith.constant 1 : i32
        scf.for %scan3A_138 = %scan3A_133 to %scan3A_135 step %scan3A_136  : i32 {
          %mul3A_139 = arith.constant 16 : i32
          %mul3A_140 = arith.muli %scan3A_138, %mul3A_139 : i32
          %get3A = arith.index_cast %mul3A_140 : i32 to index
          %get3A_141 = tpu.vector_load %arg15[%get3A] {strides = array<i32>} : memref<80xi32, #tpu.memory_space<vmem>>, vector<16xi32>,
          tpu.vector_store_idx %arg17[%get3A_141], %broadcast_in_dim3A_2 {add = true} : memref<10000xf32, #tpu.memory_space<vmem>>[vector<16xi32>], vector<16xf32>,
        }
        %scan3A_137 = arith.constant 5 : i32
      } else {
      }
      %lt3A_100 = arith.constant 124 : i32
      %lt3A_101 = arith.cmpi slt, %scan3A_52, %lt3A_100 : i32
      %convert_element_type3A_102 = arith.extui %lt3A_101 : i1 to i32
      %cond3A_103 = arith.constant 0 : i32
      %cond3A_104 = arith.cmpi ne, %convert_element_type3A_102, %cond3A_103 : i32
      scf.if %cond3A_104 {
        %add3A_132 = arith.constant 2 : i32
        %add3A_133 = arith.addi %mul3A_54, %add3A_132 : i32
        %mul3A_134 = arith.constant 80 : i32
        %mul3A_135 = arith.muli %add3A_133, %mul3A_134 : i32
        %add3A_136 = arith.addi %mul3A_18, %mul3A_135 : i32
        %mul3A_137 = arith.constant 64 : i32
        %mul3A_138 = arith.muli %arg0, %mul3A_137 : i32
        %dma_start3A_139 = tpu.memref_slice %arg2[%add3A_136, %mul3A_138] : memref<320000x128xf32, #tpu.memory_space<hbm>> -> memref<80x64xf32, #tpu.memory_space<hbm>>
        %dma_start3A_140 = tpu.memref_slice %arg2[%add3A_136, %mul3A_138] : memref<320000x128xf32, #tpu.memory_space<hbm>> -> memref<80x64xf32, #tpu.memory_space<hbm>>
        tpu.enqueue_dma source(%dma_start3A_140 : memref<80x64xf32, #tpu.memory_space<hbm>>) target(%arg11 : memref<80x64xf32, #tpu.memory_space<vmem>>) target_semaphore(%arg19 : memref<!tpu.dma_semaphore, #tpu.memory_space<semaphore_mem>>)
        %add3A_141 = arith.constant 2 : i32
        %add3A_142 = arith.addi %mul3A_54, %add3A_141 : i32
        %mul3A_143 = arith.constant 80 : i32
        %mul3A_144 = arith.muli %add3A_142, %mul3A_143 : i32
        %add3A_145 = arith.addi %mul3A_18, %mul3A_144 : i32
        %dma_start3A_146 = tpu.memref_slice %arg3[%add3A_145] : memref<320000xi32, #tpu.memory_space<hbm>> -> memref<80xi32, #tpu.memory_space<hbm>>
        %dma_start3A_147 = tpu.memref_slice %arg3[%add3A_145] : memref<320000xi32, #tpu.memory_space<hbm>> -> memref<80xi32, #tpu.memory_space<hbm>>
        tpu.enqueue_dma source(%dma_start3A_147 : memref<80xi32, #tpu.memory_space<hbm>>) target(%arg13 : memref<80xi32, #tpu.memory_space<vmem>>) target_semaphore(%arg19 : memref<!tpu.dma_semaphore, #tpu.memory_space<semaphore_mem>>)
        %add3A_148 = arith.constant 2 : i32
        %add3A_149 = arith.addi %mul3A_54, %add3A_148 : i32
        %mul3A_150 = arith.constant 80 : i32
        %mul3A_151 = arith.muli %add3A_149, %mul3A_150 : i32
        %add3A_152 = arith.addi %mul3A_18, %mul3A_151 : i32
        %dma_start3A_153 = tpu.memref_slice %arg4[%add3A_152] : memref<320000xi32, #tpu.memory_space<hbm>> -> memref<80xi32, #tpu.memory_space<hbm>>
        %dma_start3A_154 = tpu.memref_slice %arg4[%add3A_152] : memref<320000xi32, #tpu.memory_space<hbm>> -> memref<80xi32, #tpu.memory_space<hbm>>
        tpu.enqueue_dma source(%dma_start3A_154 : memref<80xi32, #tpu.memory_space<hbm>>) target(%arg15 : memref<80xi32, #tpu.memory_space<vmem>>) target_semaphore(%arg19 : memref<!tpu.dma_semaphore, #tpu.memory_space<semaphore_mem>>)
      } else {
      }
      %mul3A_105 = arith.constant 80 : i32
      %mul3A_106 = arith.muli %add3A_56, %mul3A_105 : i32
      %add3A_107 = arith.addi %mul3A_18, %mul3A_106 : i32
      %mul3A_108 = arith.constant 64 : i32
      %mul3A_109 = arith.muli %arg0, %mul3A_108 : i32
      %dma_wait3A_110 = tpu.memref_slice %arg2[%add3A_107, %mul3A_109] : memref<320000x128xf32, #tpu.memory_space<hbm>> -> memref<80x64xf32, #tpu.memory_space<hbm>>
      %dma_wait3A_111 = tpu.memref_slice %arg2[%add3A_107, %mul3A_109] : memref<320000x128xf32, #tpu.memory_space<hbm>> -> memref<80x64xf32, #tpu.memory_space<hbm>>
      tpu.wait_dma2 semaphore(%arg20 : memref<!tpu.dma_semaphore, #tpu.memory_space<semaphore_mem>>) src(%dma_wait3A_111 : memref<80x64xf32, #tpu.memory_space<hbm>>) dst(%arg12 : memref<80x64xf32, #tpu.memory_space<vmem>>)
      %mul3A_112 = arith.constant 80 : i32
      %mul3A_113 = arith.muli %add3A_56, %mul3A_112 : i32
      %add3A_114 = arith.addi %mul3A_18, %mul3A_113 : i32
      %dma_wait3A_115 = tpu.memref_slice %arg3[%add3A_114] : memref<320000xi32, #tpu.memory_space<hbm>> -> memref<80xi32, #tpu.memory_space<hbm>>
      %dma_wait3A_116 = tpu.memref_slice %arg3[%add3A_114] : memref<320000xi32, #tpu.memory_space<hbm>> -> memref<80xi32, #tpu.memory_space<hbm>>
      tpu.wait_dma2 semaphore(%arg20 : memref<!tpu.dma_semaphore, #tpu.memory_space<semaphore_mem>>) src(%dma_wait3A_116 : memref<80xi32, #tpu.memory_space<hbm>>) dst(%arg14 : memref<80xi32, #tpu.memory_space<vmem>>)
      %mul3A_117 = arith.constant 80 : i32
      %mul3A_118 = arith.muli %add3A_56, %mul3A_117 : i32
      %add3A_119 = arith.addi %mul3A_18, %mul3A_118 : i32
      %dma_wait3A_120 = tpu.memref_slice %arg4[%add3A_119] : memref<320000xi32, #tpu.memory_space<hbm>> -> memref<80xi32, #tpu.memory_space<hbm>>
      %dma_wait3A_121 = tpu.memref_slice %arg4[%add3A_119] : memref<320000xi32, #tpu.memory_space<hbm>> -> memref<80xi32, #tpu.memory_space<hbm>>
      tpu.wait_dma2 semaphore(%arg20 : memref<!tpu.dma_semaphore, #tpu.memory_space<semaphore_mem>>) src(%dma_wait3A_121 : memref<80xi32, #tpu.memory_space<hbm>>) dst(%arg16 : memref<80xi32, #tpu.memory_space<vmem>>)
      "tpu.region"() ({
        %run_scoped3A = tpu.sem_alloc : memref<!tpu.dma_semaphore, #tpu.memory_space<semaphore_mem>>
        %dma_start3A_132 = arith.constant 0 : i32
        %dma_start3A_133 = arith.constant 0 : i32
        %dma_start3A_134 = tpu.memref_slice %arg9[%dma_start3A_132, %dma_start3A_133] : memref<10000x64xf32, #tpu.memory_space<vmem_shared>> -> memref<10000x64xf32, #tpu.memory_space<vmem_shared>>
        tpu.enqueue_indirect_dma source(%arg12 : memref<80x64xf32, #tpu.memory_space<vmem>>) target(%dma_start3A_134 : memref<10000x64xf32, #tpu.memory_space<vmem_shared>>) offsets(%arg14 : memref<80xi32, #tpu.memory_space<vmem>>) semaphore(%run_scoped3A : memref<!tpu.dma_semaphore, #tpu.memory_space<semaphore_mem>>) {add = true}
        %dma_wait3A_135 = arith.constant 0 : i32
        %dma_wait3A_136 = arith.constant 0 : i32
        %dma_wait3A_137 = tpu.memref_slice %arg9[%dma_wait3A_135, %dma_wait3A_136] : memref<10000x64xf32, #tpu.memory_space<vmem_shared>> -> memref<10000x64xf32, #tpu.memory_space<vmem_shared>>
        tpu.wait_indirect_dma semaphore(%run_scoped3A : memref<!tpu.dma_semaphore, #tpu.memory_space<semaphore_mem>>) src(%arg12 : memref<80x64xf32, #tpu.memory_space<vmem>>) dst(%dma_wait3A_137 : memref<10000x64xf32, #tpu.memory_space<vmem_shared>>)
        tpu.yield
      }) : () -> ()
      "tpu.region"() ({
        %run_scoped3A = tpu.sem_alloc : memref<!tpu.dma_semaphore, #tpu.memory_space<semaphore_mem>>
        %dma_start3A_132 = arith.constant 0 : i32
        %dma_start3A_133 = arith.constant 0 : i32
        %dma_start3A_134 = tpu.memref_slice %arg10[%dma_start3A_132, %dma_start3A_133] : memref<10000x64xf32, #tpu.memory_space<vmem_shared>> -> memref<10000x64xf32, #tpu.memory_space<vmem_shared>>
        tpu.enqueue_indirect_dma source(%arg12 : memref<80x64xf32, #tpu.memory_space<vmem>>) target(%dma_start3A_134 : memref<10000x64xf32, #tpu.memory_space<vmem_shared>>) offsets(%arg16 : memref<80xi32, #tpu.memory_space<vmem>>) semaphore(%run_scoped3A : memref<!tpu.dma_semaphore, #tpu.memory_space<semaphore_mem>>) {add = true}
        %dma_wait3A_135 = arith.constant 0 : i32
        %dma_wait3A_136 = arith.constant 0 : i32
        %dma_wait3A_137 = tpu.memref_slice %arg10[%dma_wait3A_135, %dma_wait3A_136] : memref<10000x64xf32, #tpu.memory_space<vmem_shared>> -> memref<10000x64xf32, #tpu.memory_space<vmem_shared>>
        tpu.wait_indirect_dma semaphore(%run_scoped3A : memref<!tpu.dma_semaphore, #tpu.memory_space<semaphore_mem>>) src(%arg12 : memref<80x64xf32, #tpu.memory_space<vmem>>) dst(%dma_wait3A_137 : memref<10000x64xf32, #tpu.memory_space<vmem_shared>>)
        tpu.yield
      }) : () -> ()
      %eq3A_122 = arith.constant 0 : i32
      %eq3A_123 = arith.cmpi eq, %arg0, %eq3A_122 : i32
      %convert_element_type3A_124 = arith.extui %eq3A_123 : i1 to i32
      %cond3A_125 = arith.constant 0 : i32
      %cond3A_126 = arith.cmpi ne, %convert_element_type3A_124, %cond3A_125 : i32
      scf.if %cond3A_126 {
        %scan3A_132 = arith.constant 0 : i32
        %scan3A_133 = arith.constant 0 : i32
        %scan3A_134 = arith.constant 5 : i32
        %scan3A_135 = arith.addi %scan3A_133, %scan3A_134 : i32
        %scan3A_136 = arith.constant 1 : i32
        scf.for %scan3A_138 = %scan3A_133 to %scan3A_135 step %scan3A_136  : i32 {
          %mul3A_139 = arith.constant 16 : i32
          %mul3A_140 = arith.muli %scan3A_138, %mul3A_139 : i32
          %get3A = arith.index_cast %mul3A_140 : i32 to index
          %get3A_141 = tpu.vector_load %arg14[%get3A] {strides = array<i32>} : memref<80xi32, #tpu.memory_space<vmem>>, vector<16xi32>,
          tpu.vector_store_idx %arg17[%get3A_141], %broadcast_in_dim3A_2 {add = true} : memref<10000xf32, #tpu.memory_space<vmem>>[vector<16xi32>], vector<16xf32>,
        }
        %scan3A_137 = arith.constant 5 : i32
      } else {
      }
      %eq3A_127 = arith.constant 1 : i32
      %eq3A_128 = arith.cmpi eq, %arg0, %eq3A_127 : i32
      %convert_element_type3A_129 = arith.extui %eq3A_128 : i1 to i32
      %cond3A_130 = arith.constant 0 : i32
      %cond3A_131 = arith.cmpi ne, %convert_element_type3A_129, %cond3A_130 : i32
      scf.if %cond3A_131 {
        %scan3A_132 = arith.constant 0 : i32
        %scan3A_133 = arith.constant 0 : i32
        %scan3A_134 = arith.constant 5 : i32
        %scan3A_135 = arith.addi %scan3A_133, %scan3A_134 : i32
        %scan3A_136 = arith.constant 1 : i32
        scf.for %scan3A_138 = %scan3A_133 to %scan3A_135 step %scan3A_136  : i32 {
          %mul3A_139 = arith.constant 16 : i32
          %mul3A_140 = arith.muli %scan3A_138, %mul3A_139 : i32
          %get3A = arith.index_cast %mul3A_140 : i32 to index
          %get3A_141 = tpu.vector_load %arg16[%get3A] {strides = array<i32>} : memref<80xi32, #tpu.memory_space<vmem>>, vector<16xi32>,
          tpu.vector_store_idx %arg17[%get3A_141], %broadcast_in_dim3A_2 {add = true} : memref<10000xf32, #tpu.memory_space<vmem>>[vector<16xi32>], vector<16xf32>,
        }
        %scan3A_137 = arith.constant 5 : i32
      } else {
      }
    }
    %scan3A_36 = arith.constant 125 : i32
    %barrier3A_37 = arith.constant 0 : index
    tpu.barrier barrier_id(%barrier3A_37)
    %lt3A_38 = arith.constant 10 : i32
    %lt3A_39 = arith.cmpi slt, %arg1, %lt3A_38 : i32
    %convert_element_type3A_40 = arith.extui %lt3A_39 : i1 to i32
    %cond3A_41 = arith.constant 0 : i32
    %cond3A_42 = arith.cmpi ne, %convert_element_type3A_40, %cond3A_41 : i32
    scf.if %cond3A_42 {
      %mul3A_52 = arith.constant 64 : i32
      %mul3A_53 = arith.muli %arg0, %mul3A_52 : i32
      "tpu.region"() ({
        %run_scoped3A = tpu.sem_alloc : memref<!tpu.dma_semaphore, #tpu.memory_space<semaphore_mem>>
        %dma_start3A_56 = tpu.memref_slice %arg5[%mul3A_14, %mul3A_53] : memref<10000x128xf32, #tpu.memory_space<hbm>> -> memref<1000x64xf32, #tpu.memory_space<hbm>>
        %dma_start3A_57 = arith.constant 0 : i32
        %dma_start3A_58 = tpu.memref_slice %arg9[%mul3A_14, %dma_start3A_57] : memref<10000x64xf32, #tpu.memory_space<vmem_shared>> -> memref<1000x64xf32, #tpu.memory_space<vmem_shared>>
        tpu.enqueue_dma source(%dma_start3A_58 : memref<1000x64xf32, #tpu.memory_space<vmem_shared>>) target(%dma_start3A_56 : memref<1000x64xf32, #tpu.memory_space<hbm>>) target_semaphore(%run_scoped3A : memref<!tpu.dma_semaphore, #tpu.memory_space<semaphore_mem>>)
        %dma_wait3A = tpu.memref_slice %arg5[%mul3A_14, %mul3A_53] : memref<10000x128xf32, #tpu.memory_space<hbm>> -> memref<1000x64xf32, #tpu.memory_space<hbm>>
        %dma_wait3A_59 = arith.constant 0 : i32
        %dma_wait3A_60 = tpu.memref_slice %arg9[%mul3A_14, %dma_wait3A_59] : memref<10000x64xf32, #tpu.memory_space<vmem_shared>> -> memref<1000x64xf32, #tpu.memory_space<vmem_shared>>
        tpu.wait_dma2 semaphore(%run_scoped3A : memref<!tpu.dma_semaphore, #tpu.memory_space<semaphore_mem>>) src(%dma_wait3A_60 : memref<1000x64xf32, #tpu.memory_space<vmem_shared>>) dst(%dma_wait3A : memref<1000x64xf32, #tpu.memory_space<hbm>>)
        tpu.yield
      }) : () -> ()
      %mul3A_54 = arith.constant 64 : i32
      %mul3A_55 = arith.muli %arg0, %mul3A_54 : i32
      "tpu.region"() ({
        %run_scoped3A = tpu.sem_alloc : memref<!tpu.dma_semaphore, #tpu.memory_space<semaphore_mem>>
        %dma_start3A_56 = tpu.memref_slice %arg6[%mul3A_14, %mul3A_55] : memref<10000x128xf32, #tpu.memory_space<hbm>> -> memref<1000x64xf32, #tpu.memory_space<hbm>>
        %dma_start3A_57 = arith.constant 0 : i32
        %dma_start3A_58 = tpu.memref_slice %arg10[%mul3A_14, %dma_start3A_57] : memref<10000x64xf32, #tpu.memory_space<vmem_shared>> -> memref<1000x64xf32, #tpu.memory_space<vmem_shared>>
        tpu.enqueue_dma source(%dma_start3A_58 : memref<1000x64xf32, #tpu.memory_space<vmem_shared>>) target(%dma_start3A_56 : memref<1000x64xf32, #tpu.memory_space<hbm>>) target_semaphore(%run_scoped3A : memref<!tpu.dma_semaphore, #tpu.memory_space<semaphore_mem>>)
        %dma_wait3A = tpu.memref_slice %arg6[%mul3A_14, %mul3A_55] : memref<10000x128xf32, #tpu.memory_space<hbm>> -> memref<1000x64xf32, #tpu.memory_space<hbm>>
        %dma_wait3A_59 = arith.constant 0 : i32
        %dma_wait3A_60 = tpu.memref_slice %arg10[%mul3A_14, %dma_wait3A_59] : memref<10000x64xf32, #tpu.memory_space<vmem_shared>> -> memref<1000x64xf32, #tpu.memory_space<vmem_shared>>
        tpu.wait_dma2 semaphore(%run_scoped3A : memref<!tpu.dma_semaphore, #tpu.memory_space<semaphore_mem>>) src(%dma_wait3A_60 : memref<1000x64xf32, #tpu.memory_space<vmem_shared>>) dst(%dma_wait3A : memref<1000x64xf32, #tpu.memory_space<hbm>>)
        tpu.yield
      }) : () -> ()
    } else {
    }
    %eq3A = arith.constant 0 : i32
    %eq3A_43 = arith.cmpi eq, %arg0, %eq3A : i32
    %convert_element_type3A_44 = arith.extui %eq3A_43 : i1 to i32
    %cond3A_45 = arith.constant 0 : i32
    %cond3A_46 = arith.cmpi ne, %convert_element_type3A_44, %cond3A_45 : i32
    scf.if %cond3A_46 {
      "tpu.region"() ({
        %run_scoped3A = tpu.sem_alloc : memref<!tpu.dma_semaphore, #tpu.memory_space<semaphore_mem>>
        %dma_start3A_52 = arith.constant 0 : i32
        %dma_start3A_53 = tpu.memref_slice %arg7[%arg1, %dma_start3A_52] : memref<16x10112xf32, #tpu.memory_space<hbm>> -> memref<1x10000xf32, #tpu.memory_space<hbm>>
        %dma_start3A_54 = tpu.memref_squeeze %dma_start3A_53 : memref<1x10000xf32, #tpu.memory_space<hbm>> -> memref<10000xf32, #tpu.memory_space<hbm>>
        %dma_start3A_55 = arith.constant 0 : i32
        %dma_start3A_56 = tpu.memref_slice %arg7[%arg1, %dma_start3A_55] : memref<16x10112xf32, #tpu.memory_space<hbm>> -> memref<1x10000xf32, #tpu.memory_space<hbm>>
        %dma_start3A_57 = tpu.memref_squeeze %dma_start3A_56 : memref<1x10000xf32, #tpu.memory_space<hbm>> -> memref<10000xf32, #tpu.memory_space<hbm>>
        tpu.enqueue_dma source(%arg17 : memref<10000xf32, #tpu.memory_space<vmem>>) target(%dma_start3A_57 : memref<10000xf32, #tpu.memory_space<hbm>>) target_semaphore(%run_scoped3A : memref<!tpu.dma_semaphore, #tpu.memory_space<semaphore_mem>>)
        %dma_wait3A = arith.constant 0 : i32
        %dma_wait3A_58 = tpu.memref_slice %arg7[%arg1, %dma_wait3A] : memref<16x10112xf32, #tpu.memory_space<hbm>> -> memref<1x10000xf32, #tpu.memory_space<hbm>>
        %dma_wait3A_59 = tpu.memref_squeeze %dma_wait3A_58 : memref<1x10000xf32, #tpu.memory_space<hbm>> -> memref<10000xf32, #tpu.memory_space<hbm>>
        %dma_wait3A_60 = arith.constant 0 : i32
        %dma_wait3A_61 = tpu.memref_slice %arg7[%arg1, %dma_wait3A_60] : memref<16x10112xf32, #tpu.memory_space<hbm>> -> memref<1x10000xf32, #tpu.memory_space<hbm>>
        %dma_wait3A_62 = tpu.memref_squeeze %dma_wait3A_61 : memref<1x10000xf32, #tpu.memory_space<hbm>> -> memref<10000xf32, #tpu.memory_space<hbm>>
        tpu.wait_dma2 semaphore(%run_scoped3A : memref<!tpu.dma_semaphore, #tpu.memory_space<semaphore_mem>>) src(%arg17 : memref<10000xf32, #tpu.memory_space<vmem>>) dst(%dma_wait3A_62 : memref<10000xf32, #tpu.memory_space<hbm>>)
        tpu.yield
      }) : () -> ()
    } else {
    }
    %eq3A_47 = arith.constant 1 : i32
    %eq3A_48 = arith.cmpi eq, %arg0, %eq3A_47 : i32
    %convert_element_type3A_49 = arith.extui %eq3A_48 : i1 to i32
    %cond3A_50 = arith.constant 0 : i32
    %cond3A_51 = arith.cmpi ne, %convert_element_type3A_49, %cond3A_50 : i32
    scf.if %cond3A_51 {
      "tpu.region"() ({
        %run_scoped3A = tpu.sem_alloc : memref<!tpu.dma_semaphore, #tpu.memory_space<semaphore_mem>>
        %dma_start3A_52 = arith.constant 0 : i32
        %dma_start3A_53 = tpu.memref_slice %arg8[%arg1, %dma_start3A_52] : memref<16x10112xf32, #tpu.memory_space<hbm>> -> memref<1x10000xf32, #tpu.memory_space<hbm>>
        %dma_start3A_54 = tpu.memref_squeeze %dma_start3A_53 : memref<1x10000xf32, #tpu.memory_space<hbm>> -> memref<10000xf32, #tpu.memory_space<hbm>>
        %dma_start3A_55 = arith.constant 0 : i32
        %dma_start3A_56 = tpu.memref_slice %arg8[%arg1, %dma_start3A_55] : memref<16x10112xf32, #tpu.memory_space<hbm>> -> memref<1x10000xf32, #tpu.memory_space<hbm>>
        %dma_start3A_57 = tpu.memref_squeeze %dma_start3A_56 : memref<1x10000xf32, #tpu.memory_space<hbm>> -> memref<10000xf32, #tpu.memory_space<hbm>>
        tpu.enqueue_dma source(%arg17 : memref<10000xf32, #tpu.memory_space<vmem>>) target(%dma_start3A_57 : memref<10000xf32, #tpu.memory_space<hbm>>) target_semaphore(%run_scoped3A : memref<!tpu.dma_semaphore, #tpu.memory_space<semaphore_mem>>)
        %dma_wait3A = arith.constant 0 : i32
        %dma_wait3A_58 = tpu.memref_slice %arg8[%arg1, %dma_wait3A] : memref<16x10112xf32, #tpu.memory_space<hbm>> -> memref<1x10000xf32, #tpu.memory_space<hbm>>
        %dma_wait3A_59 = tpu.memref_squeeze %dma_wait3A_58 : memref<1x10000xf32, #tpu.memory_space<hbm>> -> memref<10000xf32, #tpu.memory_space<hbm>>
        %dma_wait3A_60 = arith.constant 0 : i32
        %dma_wait3A_61 = tpu.memref_slice %arg8[%arg1, %dma_wait3A_60] : memref<16x10112xf32, #tpu.memory_space<hbm>> -> memref<1x10000xf32, #tpu.memory_space<hbm>>
        %dma_wait3A_62 = tpu.memref_squeeze %dma_wait3A_61 : memref<1x10000xf32, #tpu.memory_space<hbm>> -> memref<10000xf32, #tpu.memory_space<hbm>>
        tpu.wait_dma2 semaphore(%run_scoped3A : memref<!tpu.dma_semaphore, #tpu.memory_space<semaphore_mem>>) src(%arg17 : memref<10000xf32, #tpu.memory_space<vmem>>) dst(%dma_wait3A_62 : memref<10000xf32, #tpu.memory_space<hbm>>)
        tpu.yield
      }) : () -> ()
    } else {
    }
    return
  }
}

module attributes {stable_mosaic.version = 14 : i64} {
  func.func @_prep_body(%arg0: i32, %arg1: memref<250x128xi32, #tpu.memory_space<vmem>>, %arg2: memref<250x128xi32, #tpu.memory_space<vmem>>, %arg3: memref<17xi32, #tpu.memory_space<smem>>, %arg4: memref<16xi32, #tpu.memory_space<smem>>, %arg5: memref<250x128xi32, #tpu.memory_space<vmem>>, %arg6: memref<250x128xi32, #tpu.memory_space<vmem>>) attributes {dimension_semantics = [#tpu.dimension_semantics<arbitrary>], iteration_bounds = array<i64: 10>, scalar_prefetch = 0 : i64, scratch_operands = 0 : i64, tpu.core_type = #tpu.core_type<tc>, window_params = [{transform_indices = @transform_0, window_bounds = array<i64: 250, 128>}, {transform_indices = @transform_1, window_bounds = array<i64: 250, 128>}, {transform_indices = @transform_2, window_bounds = array<i64: 17>}, {transform_indices = @transform_3, window_bounds = array<i64: 16>}, {transform_indices = @transform_4, window_bounds = array<i64: 250, 128>}, {transform_indices = @transform_5, window_bounds = array<i64: 250, 128>}]} {
    %iota3A = tpu.iota {dimensions = array<i32: 0>} : vector<250x128xi32>
    %iota3A_0 = tpu.iota {dimensions = array<i32: 1>} : vector<250x128xi32>
    %mul3A = arith.constant 1280 : i32
    %mul3A_1 = vector.broadcast %mul3A : i32 to vector<250x128xi32>
    %mul3A_2 = arith.muli %iota3A, %mul3A_1 : vector<250x128xi32>
    %mul3A_3 = arith.constant 128 : i32
    %mul3A_4 = arith.muli %arg0, %mul3A_3 : i32
    %add3A = vector.broadcast %mul3A_4 : i32 to vector<250x128xi32>
    %add3A_5 = arith.addi %mul3A_2, %add3A : vector<250x128xi32>
    %add3A_6 = arith.addi %add3A_5, %iota3A_0 : vector<250x128xi32>
    %broadcast_in_dim3A = arith.constant 0 : i32
    %broadcast_in_dim3A_7 = vector.broadcast %broadcast_in_dim3A : i32 to vector<250x128xi32>
    %get3A = arith.constant 1 : index
    %get3A_8 = memref.load %arg3[%get3A] : memref<17xi32, #tpu.memory_space<smem>>
    %ge3A = vector.broadcast %get3A_8 : i32 to vector<250x128xi32>
    %ge3A_9 = arith.cmpi sge, %add3A_6, %ge3A : vector<250x128xi32>
    %get3A_10 = arith.constant 0 : index
    %get3A_11 = memref.load %arg4[%get3A_10] : memref<16xi32, #tpu.memory_space<smem>>
    %jit3A = arith.constant 0 : i32
    %broadcast_in_dim3A_12 = vector.broadcast %get3A_11 : i32 to vector<250x128xi32>
    %broadcast_in_dim3A_13 = vector.broadcast %jit3A : i32 to vector<250x128xi32>
    %select_n3A = arith.select %ge3A_9, %broadcast_in_dim3A_12, %broadcast_in_dim3A_13 : vector<250x128xi1>, vector<250x128xi32>
    %add3A_14 = arith.addi %broadcast_in_dim3A_7, %select_n3A : vector<250x128xi32>
    %get3A_15 = arith.constant 2 : index
    %get3A_16 = memref.load %arg3[%get3A_15] : memref<17xi32, #tpu.memory_space<smem>>
    %ge3A_17 = vector.broadcast %get3A_16 : i32 to vector<250x128xi32>
    %ge3A_18 = arith.cmpi sge, %add3A_6, %ge3A_17 : vector<250x128xi32>
    %get3A_19 = arith.constant 1 : index
    %get3A_20 = memref.load %arg4[%get3A_19] : memref<16xi32, #tpu.memory_space<smem>>
    %jit3A_21 = arith.constant 0 : i32
    %broadcast_in_dim3A_22 = vector.broadcast %get3A_20 : i32 to vector<250x128xi32>
    %broadcast_in_dim3A_23 = vector.broadcast %jit3A_21 : i32 to vector<250x128xi32>
    %select_n3A_24 = arith.select %ge3A_18, %broadcast_in_dim3A_22, %broadcast_in_dim3A_23 : vector<250x128xi1>, vector<250x128xi32>
    %add3A_25 = arith.addi %add3A_14, %select_n3A_24 : vector<250x128xi32>
    %get3A_26 = arith.constant 3 : index
    %get3A_27 = memref.load %arg3[%get3A_26] : memref<17xi32, #tpu.memory_space<smem>>
    %ge3A_28 = vector.broadcast %get3A_27 : i32 to vector<250x128xi32>
    %ge3A_29 = arith.cmpi sge, %add3A_6, %ge3A_28 : vector<250x128xi32>
    %get3A_30 = arith.constant 2 : index
    %get3A_31 = memref.load %arg4[%get3A_30] : memref<16xi32, #tpu.memory_space<smem>>
    %jit3A_32 = arith.constant 0 : i32
    %broadcast_in_dim3A_33 = vector.broadcast %get3A_31 : i32 to vector<250x128xi32>
    %broadcast_in_dim3A_34 = vector.broadcast %jit3A_32 : i32 to vector<250x128xi32>
    %select_n3A_35 = arith.select %ge3A_29, %broadcast_in_dim3A_33, %broadcast_in_dim3A_34 : vector<250x128xi1>, vector<250x128xi32>
    %add3A_36 = arith.addi %add3A_25, %select_n3A_35 : vector<250x128xi32>
    %get3A_37 = arith.constant 4 : index
    %get3A_38 = memref.load %arg3[%get3A_37] : memref<17xi32, #tpu.memory_space<smem>>
    %ge3A_39 = vector.broadcast %get3A_38 : i32 to vector<250x128xi32>
    %ge3A_40 = arith.cmpi sge, %add3A_6, %ge3A_39 : vector<250x128xi32>
    %get3A_41 = arith.constant 3 : index
    %get3A_42 = memref.load %arg4[%get3A_41] : memref<16xi32, #tpu.memory_space<smem>>
    %jit3A_43 = arith.constant 0 : i32
    %broadcast_in_dim3A_44 = vector.broadcast %get3A_42 : i32 to vector<250x128xi32>
    %broadcast_in_dim3A_45 = vector.broadcast %jit3A_43 : i32 to vector<250x128xi32>
    %select_n3A_46 = arith.select %ge3A_40, %broadcast_in_dim3A_44, %broadcast_in_dim3A_45 : vector<250x128xi1>, vector<250x128xi32>
    %add3A_47 = arith.addi %add3A_36, %select_n3A_46 : vector<250x128xi32>
    %get3A_48 = arith.constant 5 : index
    %get3A_49 = memref.load %arg3[%get3A_48] : memref<17xi32, #tpu.memory_space<smem>>
    %ge3A_50 = vector.broadcast %get3A_49 : i32 to vector<250x128xi32>
    %ge3A_51 = arith.cmpi sge, %add3A_6, %ge3A_50 : vector<250x128xi32>
    %get3A_52 = arith.constant 4 : index
    %get3A_53 = memref.load %arg4[%get3A_52] : memref<16xi32, #tpu.memory_space<smem>>
    %jit3A_54 = arith.constant 0 : i32
    %broadcast_in_dim3A_55 = vector.broadcast %get3A_53 : i32 to vector<250x128xi32>
    %broadcast_in_dim3A_56 = vector.broadcast %jit3A_54 : i32 to vector<250x128xi32>
    %select_n3A_57 = arith.select %ge3A_51, %broadcast_in_dim3A_55, %broadcast_in_dim3A_56 : vector<250x128xi1>, vector<250x128xi32>
    %add3A_58 = arith.addi %add3A_47, %select_n3A_57 : vector<250x128xi32>
    %get3A_59 = arith.constant 6 : index
    %get3A_60 = memref.load %arg3[%get3A_59] : memref<17xi32, #tpu.memory_space<smem>>
    %ge3A_61 = vector.broadcast %get3A_60 : i32 to vector<250x128xi32>
    %ge3A_62 = arith.cmpi sge, %add3A_6, %ge3A_61 : vector<250x128xi32>
    %get3A_63 = arith.constant 5 : index
    %get3A_64 = memref.load %arg4[%get3A_63] : memref<16xi32, #tpu.memory_space<smem>>
    %jit3A_65 = arith.constant 0 : i32
    %broadcast_in_dim3A_66 = vector.broadcast %get3A_64 : i32 to vector<250x128xi32>
    %broadcast_in_dim3A_67 = vector.broadcast %jit3A_65 : i32 to vector<250x128xi32>
    %select_n3A_68 = arith.select %ge3A_62, %broadcast_in_dim3A_66, %broadcast_in_dim3A_67 : vector<250x128xi1>, vector<250x128xi32>
    %add3A_69 = arith.addi %add3A_58, %select_n3A_68 : vector<250x128xi32>
    %get3A_70 = arith.constant 7 : index
    %get3A_71 = memref.load %arg3[%get3A_70] : memref<17xi32, #tpu.memory_space<smem>>
    %ge3A_72 = vector.broadcast %get3A_71 : i32 to vector<250x128xi32>
    %ge3A_73 = arith.cmpi sge, %add3A_6, %ge3A_72 : vector<250x128xi32>
    %get3A_74 = arith.constant 6 : index
    %get3A_75 = memref.load %arg4[%get3A_74] : memref<16xi32, #tpu.memory_space<smem>>
    %jit3A_76 = arith.constant 0 : i32
    %broadcast_in_dim3A_77 = vector.broadcast %get3A_75 : i32 to vector<250x128xi32>
    %broadcast_in_dim3A_78 = vector.broadcast %jit3A_76 : i32 to vector<250x128xi32>
    %select_n3A_79 = arith.select %ge3A_73, %broadcast_in_dim3A_77, %broadcast_in_dim3A_78 : vector<250x128xi1>, vector<250x128xi32>
    %add3A_80 = arith.addi %add3A_69, %select_n3A_79 : vector<250x128xi32>
    %get3A_81 = arith.constant 8 : index
    %get3A_82 = memref.load %arg3[%get3A_81] : memref<17xi32, #tpu.memory_space<smem>>
    %ge3A_83 = vector.broadcast %get3A_82 : i32 to vector<250x128xi32>
    %ge3A_84 = arith.cmpi sge, %add3A_6, %ge3A_83 : vector<250x128xi32>
    %get3A_85 = arith.constant 7 : index
    %get3A_86 = memref.load %arg4[%get3A_85] : memref<16xi32, #tpu.memory_space<smem>>
    %jit3A_87 = arith.constant 0 : i32
    %broadcast_in_dim3A_88 = vector.broadcast %get3A_86 : i32 to vector<250x128xi32>
    %broadcast_in_dim3A_89 = vector.broadcast %jit3A_87 : i32 to vector<250x128xi32>
    %select_n3A_90 = arith.select %ge3A_84, %broadcast_in_dim3A_88, %broadcast_in_dim3A_89 : vector<250x128xi1>, vector<250x128xi32>
    %add3A_91 = arith.addi %add3A_80, %select_n3A_90 : vector<250x128xi32>
    %get3A_92 = arith.constant 9 : index
    %get3A_93 = memref.load %arg3[%get3A_92] : memref<17xi32, #tpu.memory_space<smem>>
    %ge3A_94 = vector.broadcast %get3A_93 : i32 to vector<250x128xi32>
    %ge3A_95 = arith.cmpi sge, %add3A_6, %ge3A_94 : vector<250x128xi32>
    %get3A_96 = arith.constant 8 : index
    %get3A_97 = memref.load %arg4[%get3A_96] : memref<16xi32, #tpu.memory_space<smem>>
    %jit3A_98 = arith.constant 0 : i32
    %broadcast_in_dim3A_99 = vector.broadcast %get3A_97 : i32 to vector<250x128xi32>
    %broadcast_in_dim3A_100 = vector.broadcast %jit3A_98 : i32 to vector<250x128xi32>
    %select_n3A_101 = arith.select %ge3A_95, %broadcast_in_dim3A_99, %broadcast_in_dim3A_100 : vector<250x128xi1>, vector<250x128xi32>
    %add3A_102 = arith.addi %add3A_91, %select_n3A_101 : vector<250x128xi32>
    %get3A_103 = arith.constant 10 : index
    %get3A_104 = memref.load %arg3[%get3A_103] : memref<17xi32, #tpu.memory_space<smem>>
    %ge3A_105 = vector.broadcast %get3A_104 : i32 to vector<250x128xi32>
    %ge3A_106 = arith.cmpi sge, %add3A_6, %ge3A_105 : vector<250x128xi32>
    %get3A_107 = arith.constant 9 : index
    %get3A_108 = memref.load %arg4[%get3A_107] : memref<16xi32, #tpu.memory_space<smem>>
    %jit3A_109 = arith.constant 0 : i32
    %broadcast_in_dim3A_110 = vector.broadcast %get3A_108 : i32 to vector<250x128xi32>
    %broadcast_in_dim3A_111 = vector.broadcast %jit3A_109 : i32 to vector<250x128xi32>
    %select_n3A_112 = arith.select %ge3A_106, %broadcast_in_dim3A_110, %broadcast_in_dim3A_111 : vector<250x128xi1>, vector<250x128xi32>
    %add3A_113 = arith.addi %add3A_102, %select_n3A_112 : vector<250x128xi32>
    %get3A_114 = arith.constant 11 : index
    %get3A_115 = memref.load %arg3[%get3A_114] : memref<17xi32, #tpu.memory_space<smem>>
    %ge3A_116 = vector.broadcast %get3A_115 : i32 to vector<250x128xi32>
    %ge3A_117 = arith.cmpi sge, %add3A_6, %ge3A_116 : vector<250x128xi32>
    %get3A_118 = arith.constant 10 : index
    %get3A_119 = memref.load %arg4[%get3A_118] : memref<16xi32, #tpu.memory_space<smem>>
    %jit3A_120 = arith.constant 0 : i32
    %broadcast_in_dim3A_121 = vector.broadcast %get3A_119 : i32 to vector<250x128xi32>
    %broadcast_in_dim3A_122 = vector.broadcast %jit3A_120 : i32 to vector<250x128xi32>
    %select_n3A_123 = arith.select %ge3A_117, %broadcast_in_dim3A_121, %broadcast_in_dim3A_122 : vector<250x128xi1>, vector<250x128xi32>
    %add3A_124 = arith.addi %add3A_113, %select_n3A_123 : vector<250x128xi32>
    %get3A_125 = arith.constant 12 : index
    %get3A_126 = memref.load %arg3[%get3A_125] : memref<17xi32, #tpu.memory_space<smem>>
    %ge3A_127 = vector.broadcast %get3A_126 : i32 to vector<250x128xi32>
    %ge3A_128 = arith.cmpi sge, %add3A_6, %ge3A_127 : vector<250x128xi32>
    %get3A_129 = arith.constant 11 : index
    %get3A_130 = memref.load %arg4[%get3A_129] : memref<16xi32, #tpu.memory_space<smem>>
    %jit3A_131 = arith.constant 0 : i32
    %broadcast_in_dim3A_132 = vector.broadcast %get3A_130 : i32 to vector<250x128xi32>
    %broadcast_in_dim3A_133 = vector.broadcast %jit3A_131 : i32 to vector<250x128xi32>
    %select_n3A_134 = arith.select %ge3A_128, %broadcast_in_dim3A_132, %broadcast_in_dim3A_133 : vector<250x128xi1>, vector<250x128xi32>
    %add3A_135 = arith.addi %add3A_124, %select_n3A_134 : vector<250x128xi32>
    %get3A_136 = arith.constant 13 : index
    %get3A_137 = memref.load %arg3[%get3A_136] : memref<17xi32, #tpu.memory_space<smem>>
    %ge3A_138 = vector.broadcast %get3A_137 : i32 to vector<250x128xi32>
    %ge3A_139 = arith.cmpi sge, %add3A_6, %ge3A_138 : vector<250x128xi32>
    %get3A_140 = arith.constant 12 : index
    %get3A_141 = memref.load %arg4[%get3A_140] : memref<16xi32, #tpu.memory_space<smem>>
    %jit3A_142 = arith.constant 0 : i32
    %broadcast_in_dim3A_143 = vector.broadcast %get3A_141 : i32 to vector<250x128xi32>
    %broadcast_in_dim3A_144 = vector.broadcast %jit3A_142 : i32 to vector<250x128xi32>
    %select_n3A_145 = arith.select %ge3A_139, %broadcast_in_dim3A_143, %broadcast_in_dim3A_144 : vector<250x128xi1>, vector<250x128xi32>
    %add3A_146 = arith.addi %add3A_135, %select_n3A_145 : vector<250x128xi32>
    %get3A_147 = arith.constant 14 : index
    %get3A_148 = memref.load %arg3[%get3A_147] : memref<17xi32, #tpu.memory_space<smem>>
    %ge3A_149 = vector.broadcast %get3A_148 : i32 to vector<250x128xi32>
    %ge3A_150 = arith.cmpi sge, %add3A_6, %ge3A_149 : vector<250x128xi32>
    %get3A_151 = arith.constant 13 : index
    %get3A_152 = memref.load %arg4[%get3A_151] : memref<16xi32, #tpu.memory_space<smem>>
    %jit3A_153 = arith.constant 0 : i32
    %broadcast_in_dim3A_154 = vector.broadcast %get3A_152 : i32 to vector<250x128xi32>
    %broadcast_in_dim3A_155 = vector.broadcast %jit3A_153 : i32 to vector<250x128xi32>
    %select_n3A_156 = arith.select %ge3A_150, %broadcast_in_dim3A_154, %broadcast_in_dim3A_155 : vector<250x128xi1>, vector<250x128xi32>
    %add3A_157 = arith.addi %add3A_146, %select_n3A_156 : vector<250x128xi32>
    %get3A_158 = arith.constant 15 : index
    %get3A_159 = memref.load %arg3[%get3A_158] : memref<17xi32, #tpu.memory_space<smem>>
    %ge3A_160 = vector.broadcast %get3A_159 : i32 to vector<250x128xi32>
    %ge3A_161 = arith.cmpi sge, %add3A_6, %ge3A_160 : vector<250x128xi32>
    %get3A_162 = arith.constant 14 : index
    %get3A_163 = memref.load %arg4[%get3A_162] : memref<16xi32, #tpu.memory_space<smem>>
    %jit3A_164 = arith.constant 0 : i32
    %broadcast_in_dim3A_165 = vector.broadcast %get3A_163 : i32 to vector<250x128xi32>
    %broadcast_in_dim3A_166 = vector.broadcast %jit3A_164 : i32 to vector<250x128xi32>
    %select_n3A_167 = arith.select %ge3A_161, %broadcast_in_dim3A_165, %broadcast_in_dim3A_166 : vector<250x128xi1>, vector<250x128xi32>
    %add3A_168 = arith.addi %add3A_157, %select_n3A_167 : vector<250x128xi32>
    %get3A_169 = arith.constant 0 : index
    %get3A_170 = arith.constant 0 : index
    %get3A_171 = vector.load %arg1[%get3A_169, %get3A_170] : memref<250x128xi32, #tpu.memory_space<vmem>>, vector<250x128xi32>
    %add3A_172 = arith.addi %get3A_171, %add3A_168 : vector<250x128xi32>
    %swap3A = arith.constant 0 : index
    %swap3A_173 = arith.constant 0 : index
    %swap3A_174 = vector.load %arg5[%swap3A, %swap3A_173] : memref<250x128xi32, #tpu.memory_space<vmem>>, vector<250x128xi32>
    tpu.vector_store %arg5[%swap3A, %swap3A_173], %add3A_172 {strides = array<i32>} : memref<250x128xi32, #tpu.memory_space<vmem>>, vector<250x128xi32>,
    %get3A_175 = arith.constant 0 : index
    %get3A_176 = arith.constant 0 : index
    %get3A_177 = vector.load %arg2[%get3A_175, %get3A_176] : memref<250x128xi32, #tpu.memory_space<vmem>>, vector<250x128xi32>
    %add3A_178 = arith.addi %get3A_177, %add3A_168 : vector<250x128xi32>
    %swap3A_179 = arith.constant 0 : index
    %swap3A_180 = arith.constant 0 : index
    %swap3A_181 = vector.load %arg6[%swap3A_179, %swap3A_180] : memref<250x128xi32, #tpu.memory_space<vmem>>, vector<250x128xi32>
    tpu.vector_store %arg6[%swap3A_179, %swap3A_180], %add3A_178 {strides = array<i32>} : memref<250x128xi32, #tpu.memory_space<vmem>>, vector<250x128xi32>,
    return
  }
  func.func @transform_0(%arg0: i32) -> (i32, i32) {
    %c0_i32 = arith.constant 0 : i32
    %c0_i32_0 = arith.constant 0 : i32
    return %c0_i32, %arg0 : i32, i32
  }
  func.func @transform_1(%arg0: i32) -> (i32, i32) {
    %c0_i32 = arith.constant 0 : i32
    %c0_i32_0 = arith.constant 0 : i32
    return %c0_i32, %arg0 : i32, i32
  }
  func.func @transform_2(%arg0: i32) -> i32 {
    %c0_i32 = arith.constant 0 : i32
    %c0_i32_0 = arith.constant 0 : i32
    return %c0_i32 : i32
  }
  func.func @transform_3(%arg0: i32) -> i32 {
    %c0_i32 = arith.constant 0 : i32
    %c0_i32_0 = arith.constant 0 : i32
    return %c0_i32 : i32
  }
  func.func @transform_4(%arg0: i32) -> (i32, i32) {
    %c0_i32 = arith.constant 0 : i32
    %c0_i32_0 = arith.constant 0 : i32
    return %c0_i32, %arg0 : i32, i32
  }
  func.func @transform_5(%arg0: i32) -> (i32, i32) {
    %c0_i32 = arith.constant 0 : i32
    %c0_i32_0 = arith.constant 0 : i32
    return %c0_i32, %arg0 : i32, i32
  }
}

module attributes {stable_mosaic.version = 14 : i64} {
  func.func @_combine_body(%arg0: memref<10000x128xf32, #tpu.memory_space<vmem>>, %arg1: memref<10000x128xf32, #tpu.memory_space<vmem>>, %arg2: memref<16x10112xf32, #tpu.memory_space<vmem>>, %arg3: memref<16x10112xf32, #tpu.memory_space<vmem>>, %arg4: memref<10000x128xf32, #tpu.memory_space<vmem>>) attributes {dimension_semantics = [], scalar_prefetch = 0 : i64, scratch_operands = 0 : i64, tpu.core_type = #tpu.core_type<tc>} {
    %get3A = arith.constant 0 : index
    %get3A_0 = arith.constant 0 : index
    %get3A_1 = vector.load %arg2[%get3A, %get3A_0] : memref<16x10112xf32, #tpu.memory_space<vmem>>, vector<16x10000xf32>
    %reduce_sum3A = arith.constant dense<0.000000e+00> : vector<10000xf32>
    %reduce_sum3A_2 = vector.multi_reduction <add>, %get3A_1, %reduce_sum3A [0] : vector<16x10000xf32> to vector<10000xf32>
    %max3A = arith.constant 1.000000e+00 : f32
    %max3A_3 = vector.broadcast %max3A : f32 to vector<10000xf32>
    %max3A_4 = arith.maximumf %reduce_sum3A_2, %max3A_3 : vector<10000xf32>
    %broadcast_in_dim3A = vector.shape_cast %max3A_4 : vector<10000xf32> to vector<10000x1xf32>
    %get3A_5 = arith.constant 0 : index
    %get3A_6 = arith.constant 0 : index
    %get3A_7 = vector.load %arg3[%get3A_5, %get3A_6] : memref<16x10112xf32, #tpu.memory_space<vmem>>, vector<16x10000xf32>
    %reduce_sum3A_8 = arith.constant dense<0.000000e+00> : vector<10000xf32>
    %reduce_sum3A_9 = vector.multi_reduction <add>, %get3A_7, %reduce_sum3A_8 [0] : vector<16x10000xf32> to vector<10000xf32>
    %max3A_10 = arith.constant 1.000000e+00 : f32
    %max3A_11 = vector.broadcast %max3A_10 : f32 to vector<10000xf32>
    %max3A_12 = arith.maximumf %reduce_sum3A_9, %max3A_11 : vector<10000xf32>
    %broadcast_in_dim3A_13 = vector.shape_cast %max3A_12 : vector<10000xf32> to vector<10000x1xf32>
    %get3A_14 = arith.constant 0 : index
    %get3A_15 = arith.constant 0 : index
    %get3A_16 = vector.load %arg0[%get3A_14, %get3A_15] : memref<10000x128xf32, #tpu.memory_space<vmem>>, vector<10000x128xf32>
    %div3A = vector.broadcast %broadcast_in_dim3A : vector<10000x1xf32> to vector<10000x128xf32>
    %div3A_17 = arith.divf %get3A_16, %div3A : vector<10000x128xf32>
    %get3A_18 = arith.constant 0 : index
    %get3A_19 = arith.constant 0 : index
    %get3A_20 = vector.load %arg1[%get3A_18, %get3A_19] : memref<10000x128xf32, #tpu.memory_space<vmem>>, vector<10000x128xf32>
    %div3A_21 = vector.broadcast %broadcast_in_dim3A_13 : vector<10000x1xf32> to vector<10000x128xf32>
    %div3A_22 = arith.divf %get3A_20, %div3A_21 : vector<10000x128xf32>
    %iota3A = tpu.iota {dimensions = array<i32: 1>} : vector<10000x128xi32>
    %lt3A = arith.constant 42 : i32
    %lt3A_23 = vector.broadcast %lt3A : i32 to vector<10000x128xi32>
    %lt3A_24 = arith.cmpi slt, %iota3A, %lt3A_23 : vector<10000x128xi32>
    %sub3A = arith.subf %div3A_22, %div3A_17 : vector<10000x128xf32>
    %mul3A = arith.constant 5.000000e-01 : f32
    %mul3A_25 = vector.broadcast %mul3A : f32 to vector<10000x128xf32>
    %mul3A_26 = arith.mulf %sub3A, %mul3A_25 : vector<10000x128xf32>
    %lt3A_27 = arith.constant 84 : i32
    %lt3A_28 = vector.broadcast %lt3A_27 : i32 to vector<10000x128xi32>
    %lt3A_29 = arith.cmpi slt, %iota3A, %lt3A_28 : vector<10000x128xi32>
    %select_n3A = arith.select %lt3A_29, %div3A_22, %div3A_17 : vector<10000x128xi1>, vector<10000x128xf32>
    %select_n3A_30 = arith.select %lt3A_24, %mul3A_26, %select_n3A : vector<10000x128xi1>, vector<10000x128xf32>
    %swap3A = arith.constant 0 : index
    %swap3A_31 = arith.constant 0 : index
    %swap3A_32 = vector.load %arg4[%swap3A, %swap3A_31] : memref<10000x128xf32, #tpu.memory_space<vmem>>, vector<10000x128xf32>
    tpu.vector_store %arg4[%swap3A, %swap3A_31], %select_n3A_30 {strides = array<i32>} : memref<10000x128xf32, #tpu.memory_space<vmem>>, vector<10000x128xf32>,
    return
  }
}

</mosaic_0001>

<sc_bundles>
// kernel: kernel.5.cloned.1.call-start
scs
__scs_entry_jumppad:
0x0: {  	(pc) =	sbr.rel $0x88, $3  }
0x1: {  	(tag) =	ssettag $0x0;
	lr =	simm.s32 $0x1  }
0x2: {  	[smem:$0x3F9D] =	sst lr;
	_ =	strace $0xD0000000  }
0x3: {  	_ = 	snop  }
0x4: {  	_ = 	snop  }
0x5: {  	_ = 	snop  }
0x6: {  	_ = 	snop  }
0x7: {  	_ = 	snop  }
__scs_overlays_trampoline_lowered:
0x8: {  	[smem:$0x3FAC] =	sst s0  }
0x9: {  	[smem:$0x3FAD] =	sst s1  }
0xa: {  	[smem:$0x3FAE] =	sst s2  }
0xb: {  	[smem:$0x3FAF] =	sst s3  }
0xc: {  	[smem:$0x3FB0] =	sst s4  }
0xd: {  	[smem:$0x3FB1] =	sst s5  }
0xe: {  	[smem:$0x3FB2] =	sst s6  }
0xf: {  	[smem:$0x3FB3] =	sst s7  }
0x10: {  	[smem:$0x3FB4] =	sst s8  }
0x11: {  	[smem:$0x3FB5] =	sst s9;
	s0 =	simm.s32 @!p0 $0x0  }
0x12: {  	s1 =	sld [smem:$0x3F9B];
	s0 =	simm.s32 @p0 $0x1  }
0x13: {  	[smem:$0x3FB6] =	sst s0;
	s0 =	simm.s32 @!p1 $0x0  }
0x14: {  	s2 =	sld [smem:$0x3F9A];
	s0 =	simm.s32 @p1 $0x1  }
0x15: {  	[smem:$0x3FB7] =	sst s0;
	s0 =	simm.s32 @!p2 $0x0  }
0x16: {  	s3 =	sld [smem:$0x3FDB];
	s0 =	simm.s32 @p2 $0x1  }
0x17: {  	s4 =	simm.s32 $0x1BF5;
	[smem:$0x3FB9] =	sst s0  }
0x18: {  	s0 =	sld [smem:$0x3F9C];
	_ =	swait.ge [sflag:s4], $0x0  }
0x19: {  	s7 =	sld [smem:$0x3F9D]  }
0x1a: {  	s8 =	sadd.s32 $0xFFFFE003, lr  }
0x1b: {  	s9 =	sadd.s32 $0xFFFFFEF7, lr;
	s5 =	simm.s32 $0xFFFFFFFF;
	p2 =	slt.u32 s8, $0xFFFFF086  }
0x1c: {  	p1 =	slt.u32 s9, $0xF7A;
	s5 =	simm.s32 @!p2 $0x0  }
0x1d: {  	s5 =	simm.s32 @p1 $0x1;
	p0 =	seq.s32 s7, s2  }
0x1e: {  	s7 =	smul.u32 @!p0 $0xF7A, s2;
	p2 =	seq.s32 @!p0 s5, $0x0  }
0x1f: {  	s9 =	smul.u32 $0xF7A, s1;
	s8 =	simm.s32 @!p0 $0x1BF5;
	p2 =	por !p2, p0  }
0x20: {  	[sflag:s8] =	ssyncset.s32 @!p0 $0xFFFFF086;
	s6 =	sadd.s32 @!p0 s3, s7;
	s7 =	simm.s32 @!p0 $0x108  }
0x21: {  	s3 =	sadd.s32 s3, s9;
	s6 =	sadd.s32 @!p0 $0x88, s6;
	s7 =	simm.s32 @p2 $0x1082  }
0x22: {  	[simem:s7], [sflag:s8] =	dma.local @!p0 [hbm:s6], $0xF7A  }
0x23: {  	s9 =	sor.u32 $0xD0000000, s2;
	s6 =	simm.s32 $0x108;
	_ =	swait.ge @!p0 [sflag:s8], $0x0  }
0x24: {  	s3 =	sadd.s32 $0x88, s3;
	s6 =	simm.s32 @!p1 $0x1082;
	[sflag:s4] =	ssyncset.s32 $0xFFFFF086  }
0x25: {  	[simem:s6], [sflag:s4] =	dma.local [hbm:s3], $0xF7A  }
0x26: {  	[smem:$0x3F9D] =	sst s1;
	(tag) =	ssettag s2;
	_ =	strace s9  }
0x27: {  	s1 =	sld [smem:$0x3FAD]  }
0x28: {  	s2 =	sld [smem:$0x3FAE]  }
0x29: {  	s4 =	sld [smem:$0x3FB0]  }
0x2a: {  	p0 =	seq.s32 s5, $0x0;
	s5 =	sld [smem:$0x3FB1]  }
0x2b: {  	s6 =	sld [smem:$0x3FB2]  }
0x2c: {  	s7 =	sld [smem:$0x3FB3]  }
0x2d: {  	s3 =	simm.s32 $0x108;
	s8 =	sld [smem:$0x3FB4]  }
0x2e: {  	s3 =	simm.s32 @!p0 $0x1082;
	s9 =	sld [smem:$0x3FB5]  }
0x2f: {  	lr =	sadd.s32 s0, s3;
	s0 =	sld [smem:$0x3FAC]  }
0x30: {  	s3 =	sld [smem:$0x3FAF]  }
0x31: {  	[smem:$0x3FB8] =	sst s10  }
0x32: {  	s10 =	sld [smem:$0x3FB6];
	_ =	sdelay $0x3  }
0x33: {  	p0 =	seq.s32 s10, $0x1;
	s10 =	sld [smem:$0x3FB8];
	_ =	sdelay $0x3  }
0x34: {  	[smem:$0x3FB8] =	sst s10  }
0x35: {  	s10 =	sld [smem:$0x3FB7];
	_ =	sdelay $0x3  }
0x36: {  	p1 =	seq.s32 s10, $0x1;
	s10 =	sld [smem:$0x3FB8];
	_ =	sdelay $0x3  }
0x37: {  	[smem:$0x3FB8] =	sst s10  }
0x38: {  	s10 =	sld [smem:$0x3FB9]  }
0x39: {  	_ = 	snop;
	(pc) =	sbr.ind lr, $3  }
0x3a: {  	_ = 	snop  }
0x3b: {  	_ = 	snop  }
0x3c: {  	p2 =	seq.s32 s10, $0x1;
	s10 =	sld [smem:$0x3FB8]  }
0x3d: {  	_ =	shalt  }
0x3e: {  	_ =	shalt  }
0x3f: {  	_ =	shalt  }
0x40: {  	_ =	shalt  }
0x41: {  	_ =	shalt  }
0x42: {  	_ =	shalt  }
0x43: {  	_ =	shalt  }
0x44: {  	_ =	shalt  }
0x45: {  	_ =	shalt  }
0x46: {  	_ =	shalt  }
0x47: {  	_ =	shalt  }
0x48: {  	_ =	shalt  }
0x49: {  	_ =	shalt  }
0x4a: {  	_ =	shalt  }
0x4b: {  	_ =	shalt  }
0x4c: {  	_ =	shalt  }
0x4d: {  	_ =	shalt  }
0x4e: {  	_ =	shalt  }
0x4f: {  	_ =	shalt  }
0x50: {  	_ =	shalt  }
0x51: {  	_ =	shalt  }
0x52: {  	_ =	shalt  }
0x53: {  	_ =	shalt  }
0x54: {  	_ =	shalt  }
0x55: {  	_ =	shalt  }
0x56: {  	_ =	shalt  }
0x57: {  	_ =	shalt  }
0x58: {  	_ =	shalt  }
0x59: {  	_ =	shalt  }
0x5a: {  	_ =	shalt  }
0x5b: {  	_ =	shalt  }
0x5c: {  	_ =	shalt  }
0x5d: {  	_ =	shalt  }
0x5e: {  	_ =	shalt  }
0x5f: {  	_ =	shalt  }
0x60: {  	_ =	shalt  }
0x61: {  	_ =	shalt  }
0x62: {  	_ =	shalt  }
0x63: {  	_ =	shalt  }
0x64: {  	_ =	shalt  }
0x65: {  	_ =	shalt  }
0x66: {  	_ =	shalt  }
0x67: {  	_ =	shalt  }
0x68: {  	_ =	shalt  }
0x69: {  	_ =	shalt  }
0x6a: {  	_ =	shalt  }
0x6b: {  	_ =	shalt  }
0x6c: {  	_ =	shalt  }
0x6d: {  	_ =	shalt  }
0x6e: {  	_ =	shalt  }
0x6f: {  	_ =	shalt  }
0x70: {  	_ =	shalt  }
0x71: {  	_ =	shalt  }
0x72: {  	_ =	shalt  }
0x73: {  	_ =	shalt  }
0x74: {  	_ =	shalt  }
0x75: {  	_ =	shalt  }
0x76: {  	_ =	shalt  }
0x77: {  	_ =	shalt  }
0x78: {  	_ =	shalt  }
0x79: {  	_ =	shalt  }
0x7a: {  	_ =	shalt  }
0x7b: {  	_ =	shalt  }
0x7c: {  	_ =	shalt  }
0x7d: {  	_ =	shalt  }
0x7e: {  	_ =	shalt  }
0x7f: {  	_ =	shalt  }
0x80: {  	_ =	shalt  }
0x81: {  	_ =	shalt  }
0x82: {  	_ =	shalt  }
0x83: {  	_ =	shalt  }
0x84: {  	_ =	shalt  }
0x85: {  	_ =	shalt  }
0x86: {  	_ =	shalt  }
0x87: {  	_ =	shalt  }
.Lfunc_end0:
.L_simem_size_0:
called_computation_lowered:
.L_overlay_start_0:
0x88: {  	s2 =	sld [smem:$0x3FD9]  }
0x89: {  	s3 =	sld [smem:$0x3FFE];
	_ =	sdelay $0x1  }
0x8a: {  	s1 =	srdreg.scid  }
0x8b: {  	s0 =	sand.u32 $0x1, s1  }
0x8c: {  	s17 =	sshll.u32 s0, $0xA;
	s2 =	sadd.s32 s3, s2  }
0x8d: {  	s2 =	sadd.s32 s2, s17  }
0x8e: {  	[smem:$0x3FC4] =	sst s2  }
0x8f: {  	_ = 	snop  }
0x90: {  	s2 =	sld [smem:$0x3FC9]  }
0x91: {  	s18 =	sld [smem:$0x3FD0];
	(tm) =	ssettm $0x1  }
0x92: {  	s4 =	sld [smem:$0x3FFB];
	_ =	sdelay $0x3  }
0x93: {  	_ =	strace s4  }
0x94: {  	s4 =	sld [smem:$0x3FFC];
	_ =	sdelay $0x3  }
0x95: {  	_ =	strace s4  }
0x96: {  	s4 =	sld [smem:$0x3FFD];
	_ =	sdelay $0x3  }
0x97: {  	_ =	strace s4  }
0x98: {  	_ =	strace $0x8FFFFFFF  }
0x99: {  	s19 =	sld [smem:$0x3FDB];
	_ =	sdelay $0x1  }
0x9a: {  	s5 =	simm.s32 $_scs_section_size  }
0x9b: {  	s6 =	simm.s32 $_size__tile_overlayer_lowered;
	s7 =	simm.s32 $_tile_overlayer_lowered  }
0x9c: {  	s22 =	simm.s32 $0x1BFF;
	s21 =	sshll.u32 s7, $0x1;
	s4 =	sadd.s32 s5, s19  }
0x9d: {  	s8 =	simm.s32 $0x0;
	s20 =	sshll.u32 s6, $0x1;
	s6 =	sadd.s32 s21, s4  }
0x9e: {  	[timem:s8], [sflag:s22] =	dma.local [hbm:s6], s20  }
0x9f: {  	_ =	swait.ge [sflag:s22], s20  }
0xa0: {  	s5 =	ssub.s32 $0x0, s20;
	[sflag:s22] =	ssyncset.done $0x0  }
0xa1: {  	[sflag:s22] =	ssyncadd.s32 s5;
	_ =	sdelay $0x1  }
0xa2: {  	s23 =	simm.s32 $0x1B8B  }
0xa3: {  	_ =	swait.ge [sflag:s23], $0x1  }
0xa4: {  	[sflag:s23] =	ssyncset.done $0x0  }
0xa5: {  	s25 =	simm.s32 $0x1B8E;
	s24 =	sld [smem:$0x3FFE];
	[sflag:s23] =	ssyncadd.s32 $0xFFFFFFFF  }
0xa6: {  	s26 =	simm.s32 $execute0_lowered;
	[smem:$0x3FD2] =	sst s25  }
0xa7: {  	s6 =	sshll.u32 s26, $0x1;
	_ =	strace $0x80000046;
	[dreg:$0x1] =	wrdreg $0xFFFFFFFF  }
0xa8: {  	s28 =	simm.s32 $_size_execute0_lowered;
	s4 =	sadd.s32 s4, s6;
	[dreg:$0x0] =	wrdreg $0x0  }
0xa9: {  	s6 =	sshll.u32 s28, $0x1;
	[dreg:$0x2] =	wrdreg s4  }
0xaa: {  	[dreg:$0x3] =	wrdreg s6  }
0xab: {  	[dreg:$0x4] =	wrdreg $0xC0  }
0xac: {  	_ =	task [dreg:s8], $0x5FFFF  }
0xad: {  	[dreg:$0x1] =	wrdreg $0xFFFFFFFF  }
0xae: {  	[dreg:$0x0] =	wrdreg $0x60  }
0xaf: {  	[dreg:$0x2] =	wrdreg s2  }
0xb0: {  	[dreg:$0x3] =	wrdreg s24  }
0xb1: {  	[dreg:$0x4] =	wrdreg s18  }
0xb2: {  	[dreg:$0x5] =	wrdreg $0x0  }
0xb3: {  	[dreg:$0x6] =	wrdreg $0x9C400  }
0xb4: {  	[dreg:$0x7] =	wrdreg $0x9  }
0xb5: {  	_ =	task.clear_ibuf [dreg:s8], $0x8FFFF;
	_ =	strace $0x90000046  }
0xb6: {  	s29 =	simm.s32 $0x9;
	_ =	strace $0x80000048  }
0xb7: {  	_ =	swait.ge [sflag:s29], $0x1  }
0xb8: {  	[sflag:s29] =	ssyncadd.s32 $0xFFFFFFFF  }
0xb9: {  	_ =	strace $0x90000048  }
0xba: {  	_ =	sfence  }
0xbb: {  	s30 =	sld [smem:$0x0];
	_ =	sdelay $0x2  }
0xbc: {  	s31 =	sshll.u32 s1, $0xD;
	s1 =	sshrl.u32 s1, $0x2  }
0xbd: {  	s3 =	sand.u32 $0x4000, s31;
	s1 =	sadd.s32 s1, s30  }
0xbe: {  	s0 =	sor.u32 s3, s0;
	s1 =	sshll.u32 s1, $0x11  }
0xbf: {  	s0 =	sor.u32 s1, s0  }
0xc0: {  	s0 =	sadd.s32 $0x8F2B, s0  }
0xc1: {  	[sflag:s0] =	ssyncadd.remote.s32 $0x1  }
0xc2: {  	_ =	sfence.sel $0xFFFF  }
0xc3: {  	[dreg:$0x0] =	wrdreg $0xFFFFFFFF;
	(pc) =	sbr.abs _section_cstart, $3  }
0xc4: {  	[dreg:$0x1] =	wrdreg $0xFFFFFFFF  }
0xc5: {  	_ =	task.clear_ibuf [dreg:s8], $0x2FFFF;
	_ =	strace $0x9FFFFFFF  }
0xc6: {  	(tm) =	ssettm $0x7FFFFFFF  }
0xc7: {  	_ =	shalt  }
tec
execute0_lowered:
.L_overlay_start_1:
0x0: {  	(tag) =	ssettag $0x1  }
0x1: {  	s1 =	rddreg [dreg:$0x0]  }
0x2: {  	s0 =	rddreg [dreg:$0x1]  }
0x3: {  	s3 =	rddreg [dreg:$0x2]  }
0x4: {  	s2 =	rddreg [dreg:$0x3];
	s18 =	stileid.u32  }
0x5: {  	s4 =	rddreg [dreg:$0x4];
	s7 =	smul.u32 $0x1F400, s18  }
0x6: {  	s5 =	simm.s32 $0x0;
	s6 =	srdreg.scid;
	s11 =	smul.u32 $0x271000, s18  }
0x7: {  	s28 =	simm.s32 $0x16120;
	s29 =	simm.s32 $0x14C80;
	s13 =	smul.u32 $0x4E20, s18  }
0x8: {  	s30 =	simm.s32 $0x160D0;
	s31 =	simm.s32 $0x16170;
	s16 =	smul.u32 $0xFA00, s18  }
0x9: {  	[smem:$0x7FF] =	sst s5;
	s6 =	sand.u32 $0x1, s6;
	s20 =	smul.u32 $0x4F0, s18  }
0xa: {  	s8 =	sadd.s32 $0xC00, s0;
	s10 =	sadd.s32 $0xAA00, s0;
	s22 =	smul.u32 $0x3E800, s18  }
0xb: {  	s24 =	smul.u32 $0x9C4, s18;
	_ =	strace $0x80000047;
	s9 =	sshll.u32 s6, $0x6  }
0xc: {  	s12 =	ssub.s32 $0x2, s6;
	p0 =	seq.s32 s6, $0x1;
	p1 =	seq.s32 s6, $0x0  }
0xd: {  	s6 =	simm.s32 $0x161C0;
	s7 =	sor.u32 s9, s7;
	s15 =	sshrl.u32 s12, $0x1  }
0xe: {  	s9 =	sor.u32 s9, s11;
	s13 =	sshrl.u32 s13, $0x3;
	s23 =	sshrl.u32 s22, $0x2  }
0xf: {  	s22 =	simm.s32 $0x80;
	s7 =	sshrl.u32 s7, $0x3;
	s11 =	sshrl.u32 s9, $0x3  }
0x10: {  	s12 =	ssub.s32 s12, s15;
	s17 =	sadd.s32 s8, s13;
	s19 =	sadd.s32 s10, s13  }
0x11: {  	s13 =	sadd.s32 s23, s2;
	s25 =	sadd.s32 $0x2800, s9;
	s15 =	sadd.s32 s24, s10  }
0x12: {  	s26 =	sadd.s32 $0x5000, s9;
	s9 =	simm.s32 $0x0;
	[dreg:$0x7] =	wrdreg s17  }
0x13: {  	s14 =	sadd.s32 s7, s0;
	s11 =	sadd.s32 s1, s11;
	[dreg:$0x8] =	wrdreg s19  }
0x14: {  	s3 =	sadd.s32 s3, s7;
	s17 =	sadd.s32 s16, s4;
	s12 =	smax.u32 s12, $0x1  }
0x15: {  	[dreg:$0xd] =	wrdreg s26;
	s19 =	simm.s32 $0x188D0;
	s26 =	simm.s32 $0x16080  }
0x16: {  	s7 =	simm.s32 $0x2;
	[dreg:$0x6] =	wrdreg s11;
	s11 =	simm.s32 $0x19800  }
0x17: {  	[dreg:$0x9] =	wrdreg s3;
	s3 =	sadd.s32 s16, s2;
	s11 =	simm.s32 @!p0 $0x14800  }
0x18: {  	s21 =	sadd.s32 $0x1E800, s14;
	[dreg:$0xb] =	wrdreg s12;
	s0 =	sadd.s32 s11, s0  }
0x19: {  	s14 =	sadd.s32 s23, s4;
	s16 =	sadd.s32 s24, s8;
	s0 =	sadd.s32 s0, s20  }
0x1a: {  	s23 =	simm.s32 $0x13880;
	[dreg:$0xc] =	wrdreg s0;
	s0 =	sshrl.u32 s25, $0x3  }
0x1b: {  	[dreg:$0xa] =	wrdreg s21;
	p0 =	sgt.u32 s18, $0x9;
	s0 =	sadd.s32 s0, s1  }
0x1c: {  	s21 =	simm.s32 $0x40;
	[dreg:$0xe] =	wrdreg s0;
	s0 =	sshrl.u32 @!p0 s3, $0x3  }
0x1d: {  	s20 =	simm.s32 $0x3;
	[dreg:$0xf] =	wrdreg s0;
	s0 =	sshrl.u32 @!p0 s17, $0x3  }
0x1e: {  	v0 =	vimm.f32 $0.0e+00;
	v1 =	vimm.f32 $1.000000000e+00;
	s3 =	simm.s32 $0x50;
	[dreg:$0x10] =	wrdreg s0;
	s0 =	simm.s32 $0x1  }
.LBB2_1:
0x1f: {  	[dreg:$0x11] =	wrdreg s9;
	s9 =	simm.s32 $0x0  }
.LBB2_2:
0x20: {  	p2 =	sne.s32 s9, $0x2700  }
.Ltmp0:
0x21: {  	s17 =	sshra.s32 s9, $0x2;
	(pc) =	sbr.rel @p2 .LBB2_2-.Ltmp0, $4  }
0x22: {  	[tilespmem:s17+$0x188D0] =	vst v0  }
0x23: {  	[tilespmem:s17+$0x188E0] =	vst v0  }
0x24: {  	[tilespmem:s17+$0x188F0] =	vst v0  }
0x25: {  	s9 =	sadd.s32 $0x100, s9;
	[tilespmem:s17+$0x18900] =	vst v0  }
0x26: {  	s9 =	simm.s32 $0x40;
	s17 =	simm.s32 $0x0  }
.LBB2_4:
0x27: {  	p2 =	sne.s32 s9, $0x9C00;
	[tilespmem:s17+$0x161C0] =	vst v0;
	s17 =	smov.u32 s9;
	s9 =	sadd.s32 $0x40, s9  }
.Ltmp1:
0x28: {  	(pc) =	sbr.rel @p2 .LBB2_4-.Ltmp1, $2  }
0x29: {  	_ =	sdelay $0x2  }
0x2a: {  	s17 =	sshra.s32 s17, $0x2  }
.Ltmp2:
0x2b: {  	(pc) =	sbr.rel @p0 .LBB2_9-.Ltmp2, $2  }
0x2c: {  	_ =	sdelay $0x2  }
0x2d: {  	[tilespmem:s17+$0x161C0] =	vst v0  }
0x2e: {  	s9 =	sadd.s32 $0x0, s13  }
0x2f: {  	[spmem:s9] =	stream.linear.scatter [tilespmem:s19], [sflag:$0x3], $0xA00, $0x38;
	[tilespmem:$0x192D0] =	vst v63  }
0x30: {  	_ =	swait.ge [sflag:s20], $0xA00  }
0x31: {  	[sflag:s20] =	ssyncset.done $0x0  }
0x32: {  	s25 =	sadd.s32 $0x0, s14;
	[sflag:s20] =	ssyncadd.s32 $0xFFFFF600  }
0x33: {  	[spmem:s25] =	stream.linear.scatter [tilespmem:s19], [sflag:$0x3], $0xA00, $0x38;
	[tilespmem:$0x192D0] =	vst v63  }
0x34: {  	_ =	swait.ge [sflag:s20], $0xA00  }
0x35: {  	s17 =	simm.s32 $0x5000;
	s9 =	simm.s32 $0xA00;
	[sflag:s20] =	ssyncset.done $0x0  }
.LBB2_7:
0x36: {  	s18 =	sadd.s32 s9, s13  }
0x37: {  	[sflag:s20] =	ssyncadd.s32 $0xFFFFF600;
	s12 =	smov.u32 s17;
	s11 =	sadd.s32 $0x2800, s17  }
0x38: {  	[spmem:s18] =	stream.linear.scatter [tilespmem:s19], [sflag:$0x3], $0xA00, $0x38;
	[tilespmem:$0x192D0] =	vst v63  }
0x39: {  	p2 =	sne.s32 s17, $0x3C000;
	_ =	swait.ge [sflag:s20], $0xA00  }
.Ltmp3:
0x3a: {  	[sflag:s20] =	ssyncset.done $0x0;
	(pc) =	sbr.rel @p2 .LBB2_7-.Ltmp3, $4  }
0x3b: {  	s9 =	sadd.s32 s9, s14;
	[sflag:s20] =	ssyncadd.s32 $0xFFFFF600  }
0x3c: {  	[spmem:s9] =	stream.linear.scatter [tilespmem:s19], [sflag:$0x3], $0xA00, $0x38;
	[tilespmem:$0x192D0] =	vst v63  }
0x3d: {  	_ =	swait.ge [sflag:s20], $0xA00  }
0x3e: {  	s17 =	smov.u32 s11;
	s9 =	sshra.s32 s12, $0x2;
	[sflag:s20] =	ssyncset.done $0x0  }
0x3f: {  	s11 =	sadd.s32 s9, s13;
	[sflag:s20] =	ssyncadd.s32 $0xFFFFF600  }
0x40: {  	[spmem:s11] =	stream.linear.scatter [tilespmem:s19], [sflag:$0x3], $0xA00, $0x38;
	[tilespmem:$0x192D0] =	vst v63  }
0x41: {  	_ =	swait.ge [sflag:s20], $0xA00  }
0x42: {  	[sflag:s20] =	ssyncset.done $0x0  }
0x43: {  	s25 =	sadd.s32 s9, s14;
	[sflag:s20] =	ssyncadd.s32 $0xFFFFF600  }
0x44: {  	[spmem:s25] =	stream.linear.scatter [tilespmem:s19], [sflag:$0x3], $0xA00, $0x38;
	[tilespmem:$0x192D0] =	vst v63  }
0x45: {  	_ =	swait.ge [sflag:s20], $0xA00  }
0x46: {  	[sflag:s20] =	ssyncset.done $0x0  }
0x47: {  	[sflag:s20] =	ssyncadd.s32 $0xFFFFF600  }
.LBB2_9:
0x48: {  	[bflag:$0x0] =	sbarrier.arrive $0xFFFF  }
0x49: {  	s8 =	rddreg [dreg:$0x6]  }
0x4a: {  	s24 =	rddreg [dreg:$0x7]  }
0x4b: {  	s25 =	rddreg [dreg:$0x8]  }
0x4c: {  	[tilespmem:s23], [sflag:$0x1] =	stream.strided.gather [hbm4b:s8+s21], $0x1400, s22, s21, $0x38;
	[tilespmem:$0x192D0] =	vst v63  }
0x4d: {  	s9 =	simm.s32 $0x0;
	s18 =	rddreg [dreg:$0xe]  }
0x4e: {  	[tilespmem:s26], [sflag:$0x1] =	stream.linear.gather [hbm4b:s24+s9], $0x50, $0x38;
	[tilespmem:$0x192D0] =	vst v63  }
0x4f: {  	s17 =	rddreg [dreg:$0xd]  }
0x50: {  	[tilespmem:s28], [sflag:$0x1] =	stream.linear.gather [hbm4b:s25+s9], $0x50, $0x38;
	[tilespmem:$0x192D0] =	vst v63  }
.LBB2_10:
0x51: {  	[tilespmem:s29], [sflag:$0x2] =	stream.strided.gather [hbm4b:s18+s21], $0x1400, s22, s21, $0x38;
	[tilespmem:$0x192D0] =	vst v63  }
0x52: {  	s11 =	sadd.s32 s9, s16  }
0x53: {  	s25 =	sadd.s32 s9, s15;
	s11 =	sadd.s32 $0xA, s11  }
0x54: {  	[tilespmem:s30], [sflag:$0x2] =	stream.linear.gather [hbm4b:s11+s5], $0x50, $0x38;
	[tilespmem:$0x192D0] =	vst v63  }
0x55: {  	s11 =	sadd.s32 $0xA, s25  }
0x56: {  	[tilespmem:s31], [sflag:$0x2] =	stream.linear.gather [hbm4b:s11+s5], $0x50, $0x38;
	[tilespmem:$0x192D0] =	vst v63  }
0x57: {  	_ =	swait.ge [sflag:s0], $0x1400  }
0x58: {  	[sflag:s0] =	ssyncset.done $0x0  }
0x59: {  	[sflag:s0] =	ssyncadd.s32 $0xFFFFEC00  }
0x5a: {  	_ =	swait.ge [sflag:s0], $0x50  }
0x5b: {  	[sflag:s0] =	ssyncset.done $0x0  }
0x5c: {  	[sflag:s0] =	ssyncadd.s32 $0xFFFFFFB0  }
0x5d: {  	_ =	swait.ge [sflag:s0], $0x50  }
0x5e: {  	[sflag:s0] =	ssyncset.done $0x0  }
0x5f: {  	[sflag:s0] =	ssyncadd.s32 $0xFFFFFFB0  }
0x60: {  	[spmem:s2] =	stream.indirect.scatter.add.f32 [tilespmem:s23], [sflag:$0x3], $0x40, s26, s3, $0xb8;
	[tilespmem:$0x192D0] =	vst v63  }
0x61: {  	_ =	swait.ge [sflag:s20], $0x1400  }
0x62: {  	[sflag:s20] =	ssyncset.done $0x0  }
0x63: {  	[sflag:s20] =	ssyncadd.s32 $0xFFFFEC00  }
0x64: {  	[spmem:s4] =	stream.indirect.scatter.add.f32 [tilespmem:s23], [sflag:$0x3], $0x40, s28, s3, $0xb8;
	[tilespmem:$0x192D0] =	vst v63  }
0x65: {  	_ =	swait.ge [sflag:s20], $0x1400  }
0x66: {  	[sflag:s20] =	ssyncset.done $0x0  }
0x67: {  	[sflag:s20] =	ssyncadd.s32 $0xFFFFEC00  }
0x68: {  	v2 =	vld @p1 [tilespmem:$0x16080];
	_ =	sdelay $0x6  }
0x69: {  	v3 =	vimm.f32 @p1 $1.000000000e+00;
	s11 =	simm.s32 @p1 $0x161C0  }
0x6a: {  	[tilespmem:v2+s11+$0x0] =	vst.idx.add.f32.msk @p1 $0xffff, v3  }
0x6b: {  	v2 =	vld @p1 [tilespmem:$0x16090];
	_ =	sdelay $0x7  }
0x6c: {  	[tilespmem:v2+s11+$0x0] =	vst.idx.add.f32.msk @p1 $0xffff, v3  }
0x6d: {  	v2 =	vld @p1 [tilespmem:$0x160A0];
	_ =	sdelay $0x7  }
0x6e: {  	[tilespmem:v2+s11+$0x0] =	vst.idx.add.f32.msk @p1 $0xffff, v3  }
0x6f: {  	v2 =	vld @!p1 [tilespmem:$0x16120];
	_ =	sdelay $0x6  }
0x70: {  	v4 =	vimm.f32 @!p1 $1.000000000e+00;
	s12 =	simm.s32 @!p1 $0x161C0  }
0x71: {  	[tilespmem:v2+s12+$0x0] =	vst.idx.add.f32.msk @!p1 $0xffff, v4  }
0x72: {  	v2 =	vld @!p1 [tilespmem:$0x16130];
	_ =	sdelay $0x7  }
0x73: {  	[tilespmem:v2+s12+$0x0] =	vst.idx.add.f32.msk @!p1 $0xffff, v4  }
0x74: {  	v2 =	vld @!p1 [tilespmem:$0x16140];
	_ =	sdelay $0x6  }
0x75: {  	s10 =	simm.s32 @!p1 $0x16120  }
0x76: {  	s10 =	simm.s32 @p1 $0x16080;
	[tilespmem:v2+s12+$0x0] =	vst.idx.add.f32.msk @!p1 $0xffff, v4  }
0x77: {  	v2 =	vld [tilespmem:s10+$0x30];
	_ =	sdelay $0x7  }
0x78: {  	[tilespmem:v2+s6+$0x0] =	vst.idx.add.f32.msk $0xffff, v1  }
0x79: {  	v2 =	vld [tilespmem:s10+$0x40];
	_ =	sdelay $0x5  }
0x7a: {  	p2 =	seq.s32 s9, $0x9B0  }
0x7b: {  	s24 =	simm.s32 @!p2 $0x40;
	s10 =	sshrl.u32 @!p2 s17, $0x3  }
0x7c: {  	s8 =	simm.s32 @!p2 $0x13880;
	s25 =	simm.s32 @!p2 $0x80;
	s10 =	sadd.s32 @!p2 s1, s10;
	[tilespmem:v2+s6+$0x0] =	vst.idx.add.f32.msk $0xffff, v1  }
0x7d: {  	[tilespmem:s8], [sflag:$0x1] =	stream.strided.gather @!p2 [hbm4b:s10+s24], $0x1400, s25, s24, $0x38;
	[tilespmem:$0x192D0] =	vst v63  }
0x7e: {  	s8 =	sadd.s32 @!p2 s9, s16  }
0x7f: {  	s10 =	simm.s32 @!p2 $0x0;
	s24 =	simm.s32 @!p2 $0x16080;
	s8 =	sadd.s32 @!p2 $0x14, s8  }
0x80: {  	[tilespmem:s24], [sflag:$0x1] =	stream.linear.gather @!p2 [hbm4b:s8+s10], $0x50, $0x38;
	[tilespmem:$0x192D0] =	vst v63  }
0x81: {  	s8 =	sadd.s32 @!p2 s9, s15  }
0x82: {  	s24 =	simm.s32 @!p2 $0x16120;
	s8 =	sadd.s32 @!p2 $0x14, s8  }
0x83: {  	[tilespmem:s24], [sflag:$0x1] =	stream.linear.gather @!p2 [hbm4b:s8+s10], $0x50, $0x38;
	[tilespmem:$0x192D0] =	vst v63  }
0x84: {  	_ =	swait.ge [sflag:s7], $0x1400  }
0x85: {  	[sflag:s7] =	ssyncset.done $0x0  }
0x86: {  	[sflag:s7] =	ssyncadd.s32 $0xFFFFEC00  }
0x87: {  	_ =	swait.ge [sflag:s7], $0x50  }
0x88: {  	[sflag:s7] =	ssyncset.done $0x0  }
0x89: {  	[sflag:s7] =	ssyncadd.s32 $0xFFFFFFB0  }
0x8a: {  	_ =	swait.ge [sflag:s7], $0x50  }
0x8b: {  	[sflag:s7] =	ssyncset.done $0x0  }
0x8c: {  	[sflag:s7] =	ssyncadd.s32 $0xFFFFFFB0  }
0x8d: {  	[spmem:s2] =	stream.indirect.scatter.add.f32 [tilespmem:s29], [sflag:$0x3], $0x40, s30, s3, $0xb8;
	[tilespmem:$0x192D0] =	vst v63  }
0x8e: {  	_ =	swait.ge [sflag:s20], $0x1400  }
0x8f: {  	[sflag:s20] =	ssyncset.done $0x0  }
0x90: {  	[sflag:s20] =	ssyncadd.s32 $0xFFFFEC00  }
0x91: {  	[spmem:s4] =	stream.indirect.scatter.add.f32 [tilespmem:s29], [sflag:$0x3], $0x40, s31, s3, $0xb8;
	[tilespmem:$0x192D0] =	vst v63  }
0x92: {  	_ =	swait.ge [sflag:s20], $0x1400  }
0x93: {  	[sflag:s20] =	ssyncset.done $0x0  }
0x94: {  	[sflag:s20] =	ssyncadd.s32 $0xFFFFEC00  }
0x95: {  	v2 =	vld @p1 [tilespmem:$0x160D0];
	_ =	sdelay $0x7  }
0x96: {  	[tilespmem:v2+s11+$0x0] =	vst.idx.add.f32.msk @p1 $0xffff, v3  }
0x97: {  	v2 =	vld @p1 [tilespmem:$0x160E0];
	_ =	sdelay $0x7  }
0x98: {  	[tilespmem:v2+s11+$0x0] =	vst.idx.add.f32.msk @p1 $0xffff, v3  }
0x99: {  	v2 =	vld @p1 [tilespmem:$0x160F0];
	_ =	sdelay $0x7  }
0x9a: {  	[tilespmem:v2+s11+$0x0] =	vst.idx.add.f32.msk @p1 $0xffff, v3  }
0x9b: {  	v2 =	vld @!p1 [tilespmem:$0x16170];
	_ =	sdelay $0x7  }
0x9c: {  	[tilespmem:v2+s12+$0x0] =	vst.idx.add.f32.msk @!p1 $0xffff, v4  }
0x9d: {  	v2 =	vld @!p1 [tilespmem:$0x16180];
	_ =	sdelay $0x7  }
0x9e: {  	[tilespmem:v2+s12+$0x0] =	vst.idx.add.f32.msk @!p1 $0xffff, v4  }
0x9f: {  	v2 =	vld @!p1 [tilespmem:$0x16190];
	_ =	sdelay $0x6  }
0xa0: {  	s8 =	simm.s32 @!p1 $0x16170  }
0xa1: {  	s8 =	simm.s32 @p1 $0x160D0;
	[tilespmem:v2+s12+$0x0] =	vst.idx.add.f32.msk @!p1 $0xffff, v4  }
0xa2: {  	v2 =	vld [tilespmem:s8+$0x30];
	_ =	sdelay $0x7  }
0xa3: {  	[tilespmem:v2+s6+$0x0] =	vst.idx.add.f32.msk $0xffff, v1  }
0xa4: {  	v2 =	vld [tilespmem:s8+$0x40];
	_ =	sdelay $0x1  }
0xa5: {  	s9 =	sadd.s32 $0x14, s9  }
0xa6: {  	p2 =	sne.s32 s9, $0x9C4  }
.Ltmp4:
0xa7: {  	_ = 	snop;
	(pc) =	sbr.rel @p2 .LBB2_10-.Ltmp4, $2  }
0xa8: {  	_ =	sdelay $0x2  }
0xa9: {  	s18 =	sadd.s32 $0xA00, s18;
	s17 =	sadd.s32 $0x5000, s17;
	[tilespmem:v2+s6+$0x0] =	vst.idx.add.f32.msk $0xffff, v1  }
0xaa: {  	s8 =	stileid.u32;
	[bflag:$0x0] =	sbarrier.arrive $0xFFFF;
	s9 =	simm.s32 @!p0 $0x1  }
0xab: {  	s10 =	simm.s32 @!p0 $0x10;
	s8 =	sshll.u32 @!p0 s8, $0x6;
	s12 =	rddreg [dreg:$0x9]  }
0xac: {  	s11 =	simm.s32 @!p0 $0x8;
	s17 =	rddreg [dreg:$0xf];
	s8 =	sor.u32 @!p0 $0x1C03, s8  }
0xad: {  	[hbm:s12@s10], [sflag:s8] =	dma.strided @!p0 [spmem:s17@s11], $0x1F40, s9, $0x8   }
0xae: {  	s12 =	simm.s32 @!p0 $0x3  }
0xaf: {  	_ =	swait.ge @!p0 [sflag:s12], $0x1F40  }
0xb0: {  	[sflag:s12] =	ssyncset.done @!p0 $0x0;
	s17 =	rddreg [dreg:$0xa]  }
0xb1: {  	s18 =	rddreg [dreg:$0x10];
	[sflag:s12] =	ssyncadd.s32 @!p0 $0xFFFFE0C0  }
0xb2: {  	[hbm:s17@s10], [sflag:s8] =	dma.strided @!p0 [spmem:s18@s11], $0x1F40, s9, $0x8   }
0xb3: {  	_ =	swait.ge @!p0 [sflag:s12], $0x1F40  }
0xb4: {  	[sflag:s12] =	ssyncset.done @!p0 $0x0  }
0xb5: {  	s18 =	rddreg [dreg:$0xc];
	[sflag:s12] =	ssyncadd.s32 @!p0 $0xFFFFE0C0  }
0xb6: {  	[hbm4b:s18+s5] =	stream.linear.scatter [tilespmem:s6], [sflag:$0x3], $0x2710, $0x38;
	[tilespmem:$0x192D0] =	vst v63  }
0xb7: {  	_ =	swait.ge [sflag:s20], $0x2710  }
0xb8: {  	s24 =	rddreg [dreg:$0x11]  }
0xb9: {  	s25 =	rddreg [dreg:$0xb];
	s9 =	sadd.s32 $0x1, s24  }
0xba: {  	p2 =	sne.s32 s9, s25  }
.Ltmp5:
0xbb: {  	_ = 	snop;
	(pc) =	sbr.rel @p2 .LBB2_1-.Ltmp5, $3  }
0xbc: {  	_ =	sdelay $0x1  }
0xbd: {  	[sflag:s20] =	ssyncset.done $0x0  }
0xbe: {  	[sflag:s20] =	ssyncadd.s32 $0xFFFFD8F0  }
0xbf: {  	_ =	sfence.sel $0x180000  }
0xc0: {  	[bflag:$0x0] =	sbarrier.arrive $0xFFFF  }
0xc1: {  	_ =	strace $0x90000047  }
0xc2: {  	s0 =	stileid.u32;
	[bflag:$0x2] =	sbarrier.arrive $0xFFFF  }
0xc3: {  	p0 =	sne.s32 s0, $0x0;
	s0 =	rddreg [dreg:$0x5]  }
0xc4: {  	s0 =	sadd.s32 @!p0 $0x100000, s0  }
0xc5: {  	[sflag:s0] =	ssyncadd.tile.s32 @!p0 $0x1;
	_ =	shalt  }
.Lfunc_end2:
_tile_overlayer_lowered:
.L_overlay_start_2:
0xc6: {  	(tag) =	ssettag $0x2  }
0xc7: {  	s0 =	rddreg [dreg:$0x0];
	s2 =	stileid.u32  }
0xc8: {  	s1 =	rddreg [dreg:$0x1];
	p0 =	sne.s32 s2, $0x0  }
0xc9: {  	s3 =	rddreg [dreg:$0x2];
	[bflag:$0x3] =	sbarrier.arrive $0xFFFF;
	s2 =	simm.s32 @!p0 $0x1C03  }
0xca: {  	[timem:s3], [sflag:s2] =	dma.local @!p0 [hbm:s0], s1  }
0xcb: {  	s0 =	simm.s32 @!p0 $0x3  }
0xcc: {  	_ =	swait.ge @!p0 [sflag:s0], s1  }
0xcd: {  	s1 =	ssub.s32 @!p0 $0x0, s1;
	[sflag:s0] =	ssyncset.done @!p0 $0x0  }
0xce: {  	[sflag:s0] =	ssyncadd.s32 @!p0 s1  }
0xcf: {  	[bflag:$0x3] =	sbarrier.arrive $0xFFFF  }
0xd0: {  	_ =	shalt  }

</sc_bundles>
